<compile_context>
chip_gen: v7x
topology: tpu7x:2x2x1
jax: 0.10.2.dev20260603
libtpu: 0.0.44.dev20260713+nightly
codegen_flags: <defaults>
</compile_context>

<pallas_src>
import functools

import jax
import jax.numpy as jnp
from jax import lax
from jax.experimental import pallas as pl
from jax.experimental.pallas import tpu as pltpu
from jax.experimental.pallas import tpu_sc as plsc

N = 10000
E = 320000
K = 4
IN = 32
OUT = 32
F = K * IN

NC = 2
NS = 16
NW = NC * NS

EPT = E // NW

HROWS = 640
ROWS_PER_TILE = N // NS

_MESH = plsc.VectorSubcoreMesh(core_axis_name="c", subcore_axis_name="s")


@functools.partial(
    pl.kernel,
    out_type=jax.ShapeDtypeStruct((NW, 2, HROWS * 16), jnp.float32),
    mesh=_MESH,
    scratch_types=[
        pltpu.VMEM((EPT,), jnp.int32),
        pltpu.VMEM((HROWS * 16,), jnp.float32),
        pltpu.VMEM((HROWS * 16,), jnp.float32),
    ],
    compiler_params=pltpu.CompilerParams(needs_layout_passes=False, use_tc_tiling_on_sc=False),
)
def _sc_degrees(edge_hbm, out_hbm, idx_v, hist_s, hist_d):
    c = lax.axis_index("c")
    s = lax.axis_index("s")
    wid = c * NS + s
    zero16 = jnp.zeros((16,), jnp.float32)
    ones16 = jnp.ones((16,), jnp.float32)

    @pl.loop(0, HROWS, unroll=8)
    def _zero(r):
        hist_s[pl.ds(r * 16, 16)] = zero16
        hist_d[pl.ds(r * 16, 16)] = zero16

    base_e = wid * EPT
    pltpu.sync_copy(edge_hbm.at[0, pl.ds(base_e, EPT)], idx_v)

    @pl.loop(0, EPT // 16, unroll=8)
    def _hs(i):
        v = idx_v[pl.ds(i * 16, 16)]
        plsc.addupdate_scatter(hist_s, [v], ones16)

    pltpu.sync_copy(edge_hbm.at[1, pl.ds(base_e, EPT)], idx_v)

    @pl.loop(0, EPT // 16, unroll=8)
    def _hd(i):
        v = idx_v[pl.ds(i * 16, 16)]
        plsc.addupdate_scatter(hist_d, [v], ones16)

    pltpu.sync_copy(hist_s, out_hbm.at[wid, 0])
    pltpu.sync_copy(hist_d, out_hbm.at[wid, 1])


NFULL = EPT // 128
TAIL = EPT - NFULL * 128


@functools.partial(
    pl.kernel,
    out_type=jax.ShapeDtypeStruct((NC, N, F), jnp.float32),
    mesh=_MESH,
    scratch_types=[
        pltpu.VMEM((EPT,), jnp.int32),
        pltpu.VMEM((128,), jnp.int32),
        pltpu.VMEM((128,), jnp.int32),
        pltpu.VMEM((TAIL,), jnp.int32),
        pltpu.VMEM((128, F), jnp.float32),
        pltpu.VMEM((128, F), jnp.float32),
        pltpu.VMEM((25, F), jnp.float32),
        pltpu.VMEM_SHARED((N, F), jnp.float32),
        pltpu.SemaphoreType.DMA,
        pltpu.SemaphoreType.DMA,
        pltpu.SemaphoreType.DMA,
        pltpu.SemaphoreType.DMA,
    ],
    compiler_params=pltpu.CompilerParams(needs_layout_passes=False, use_tc_tiling_on_sc=False),
)
def _sc_aggregate(g_hbm, edge_hbm, out_hbm,
                  sidx_v, dwin0_v, dwin1_v, dtail_v, rows0_v, rows1_v,
                  zbuf_v, acc, gsem0, gsem1, dsem0, dsem1):
    c = lax.axis_index("c")
    s = lax.axis_index("s")
    wid = c * NS + s
    zero16 = jnp.zeros((16,), jnp.float32)

    base_e = wid * EPT
    pltpu.async_copy(edge_hbm.at[0, pl.ds(base_e, EPT)], sidx_v, gsem0)

    @pl.loop(0, 25)
    def _zr(r):
        @pl.loop(0, F // 16)
        def _zc(q):
            zbuf_v[r, pl.ds(q * 16, 16)] = zero16

    row0 = s * ROWS_PER_TILE

    @pl.loop(0, ROWS_PER_TILE // 25)
    def _za(b):
        pltpu.sync_copy(zbuf_v, acc.at[pl.ds(row0 + b * 25, 25)])

    pltpu.make_async_copy(edge_hbm.at[0, pl.ds(base_e, EPT)], sidx_v,
                          gsem0).wait()

    plsc.subcore_barrier()

    rows = (rows0_v, rows1_v)
    dwin = (dwin0_v, dwin1_v)
    gsems = (gsem0, gsem1)
    dsems = (dsem0, dsem1)

    def _issue(cc, b):
        off = pl.multiple_of(cc * 128, 8)
        pltpu.async_copy(g_hbm.at[sidx_v.at[pl.ds(off, 128)]], rows[b],
                         gsems[b])
        pltpu.async_copy(edge_hbm.at[1, pl.ds(base_e + off, 128)], dwin[b],
                         dsems[b])

    def _drain_scatter(b):
        pltpu.make_async_copy(g_hbm.at[pl.ds(0, 128)], rows[b],
                              gsems[b]).wait()
        pltpu.make_async_copy(edge_hbm.at[1, pl.ds(0, 128)], dwin[b],
                              dsems[b]).wait()
        pltpu.sync_copy(rows[b], acc.at[dwin[b]], add=True)

    _issue(0, 0)

    @pl.loop(0, NFULL // 2)
    def _chunks(j):
        c0 = j * 2
        _issue(c0 + 1, 1)
        _drain_scatter(0)

        @pl.when(c0 + 2 < NFULL)
        def _():
            _issue(c0 + 2, 0)

        _drain_scatter(1)

    toff = NFULL * 128
    pltpu.async_copy(g_hbm.at[sidx_v.at[pl.ds(toff, TAIL)]],
                     rows0_v.at[pl.ds(0, TAIL)], gsem0)
    pltpu.sync_copy(edge_hbm.at[1, pl.ds(base_e + toff, TAIL)], dtail_v)
    pltpu.make_async_copy(g_hbm.at[pl.ds(0, TAIL)],
                          rows0_v.at[pl.ds(0, TAIL)], gsem0).wait()
    pltpu.sync_copy(rows0_v.at[pl.ds(0, TAIL)], acc.at[dtail_v], add=True)

    plsc.subcore_barrier()
    pltpu.sync_copy(acc.at[pl.ds(row0, ROWS_PER_TILE)],
                    out_hbm.at[c, pl.ds(row0, ROWS_PER_TILE)])


_BLK = 2000


def _transform_body(dsrc_ref, feat_ref, w_ref, out_ref):
    deg = jnp.sum(dsrc_ref[...], axis=1, keepdims=True)
    norm = lax.rsqrt(jnp.maximum(deg, 1.0))
    x = feat_ref[...] * norm
    w = w_ref[...]
    cols = []
    for k in range(K):
        xk = x[:, k * IN:(k + 1) * IN]
        cols.append(lax.dot_general(
            xk, w[k], (((1,), (0,)), ((), ())),
            precision=lax.Precision.HIGHEST,
            preferred_element_type=jnp.float32))
    out_ref[...] = jnp.concatenate(cols, axis=1)


def _finish_body(parts_ref, ddst_ref, bias_ref, out_ref):
    ssum = parts_ref[0] + parts_ref[1]
    deg = jnp.sum(ddst_ref[...], axis=1, keepdims=True)
    norm = lax.rsqrt(jnp.maximum(deg, 1.0))
    out_ref[...] = ssum * norm + bias_ref[...]


def _tc_transform(dsrc, feat, weight):
    return pl.pallas_call(
        _transform_body,
        grid=(N // _BLK,),
        in_specs=[
            pl.BlockSpec((_BLK, NW), lambda i: (i, 0)),
            pl.BlockSpec((_BLK, F), lambda i: (i, 0)),
            pl.BlockSpec((K, IN, OUT), lambda i: (0, 0, 0)),
        ],
        out_specs=pl.BlockSpec((_BLK, F), lambda i: (i, 0)),
        out_shape=jax.ShapeDtypeStruct((N, F), jnp.float32),
    )(dsrc, feat, weight)


def _tc_finish(parts, ddst, bias2d):
    return pl.pallas_call(
        _finish_body,
        grid=(N // _BLK,),
        in_specs=[
            pl.BlockSpec((NC, _BLK, F), lambda i: (0, i, 0)),
            pl.BlockSpec((_BLK, NW), lambda i: (i, 0)),
            pl.BlockSpec((1, F), lambda i: (0, 0)),
        ],
        out_specs=pl.BlockSpec((_BLK, F), lambda i: (i, 0)),
        out_shape=jax.ShapeDtypeStruct((N, F), jnp.float32),
    )(parts, ddst, bias2d)


def kernel(feat, edge_index, weight, bias):
    hist = _sc_degrees(edge_index)
    dsrc = hist[:, 0, :N].T
    ddst = hist[:, 1, :N].T
    g = _tc_transform(dsrc, feat, weight)
    parts = _sc_aggregate(g, edge_index)
    return _tc_finish(parts, ddst, bias.reshape(1, F))

# --- scband reference (transcript-rebuilt; emitter-appended) ---
"""Pipeline reference for scband-slot-gcnconv-52037823758815 (READ-ONLY COPY).

The authoritative reference and input builder live on the scoring server;
editing this copy changes nothing except your own understanding.
"""

import jax, jax.numpy as jnp
import numpy as np

N = 10000
E = 320000
K = 4      # num_ntype
IN = 32    # in_feats per slot
OUT = 32   # out_feats per slot


def setup_inputs(seed: int = 0) -> dict:
    key = jax.random.key(seed)
    k1, k2, k3 = jax.random.split(key, 3)
    feat = jax.random.normal(k1, (N, K * IN), dtype=jnp.float32)
    # edge_index[0] = src nodes, edge_index[1] = dst nodes
    edge_index = jax.random.randint(k2, (2, E), 0, N, dtype=jnp.int32)
    # learned parameters (xavier for weight, zeros for bias per reset_parameters)
    limit = float(np.sqrt(6.0 / (IN + OUT)))
    weight = jax.random.uniform(k3, (K, IN, OUT), dtype=jnp.float32, minval=-limit, maxval=limit)
    bias = jnp.zeros((K * OUT,), dtype=jnp.float32)
    return {"feat": feat, "edge_index": edge_index, "weight": weight, "bias": bias}


def reference(feat, edge_index, weight, bias):
    src = edge_index[0]
    dst = edge_index[1]
    # left normalization (norm='both'): feat_src * out_deg^-0.5
    deg_out = jnp.clip(jnp.bincount(src, length=N).astype(jnp.float32), 1.0)
    norm_l = jnp.power(deg_out, -0.5)
    feat_src = feat * norm_l[:, None]
    # message passing: copy_src + sum  (in_feats <= out_feats -> aggregate first)
    msg = feat_src[src]                                   # gather [E, K*IN]
    rst = jax.ops.segment_sum(msg, dst, num_segments=N)   # scatter-add [N, K*IN]
    # semantic_trans == 'False' -> identity transition matrix
    st_m = jnp.eye(K, dtype=jnp.float32)
    r = jnp.matmul(st_m, rst.reshape(N, K, IN))           # [N, K, IN]
    r = jnp.transpose(r, (1, 0, 2))                       # [K, N, IN]
    r = jnp.einsum('knd,kdo->kno', r, weight)             # bmm -> [K, N, OUT]
    r = jnp.transpose(r, (1, 0, 2)).reshape(N, K * OUT)   # [N, K*OUT]
    # right normalization: in_deg^-0.5
    deg_in = jnp.clip(jnp.bincount(dst, length=N).astype(jnp.float32), 1.0)
    norm_r = jnp.power(deg_in, -0.5)
    r = r * norm_r[:, None]
    r = r + bias
    return r

if __name__ == "__main__":
    import jax
    _d = setup_inputs()
    print(jax.jit(kernel)(*tuple(_d.values())))

</pallas_src>

<mosaic_0001>
#map = affine_map<(d0, d1) -> (0, 0)>
#map1 = affine_map<(d0, d1) -> (0, 0, 0)>
module attributes {stable_mosaic.version = 14 : i64} {
  func.func @_sc_degrees(%arg0: i32, %arg1: i32, %arg2: memref<2x320000xi32, #tpu.memory_space<hbm>>, %arg3: memref<32x2x10240xf32, #tpu.memory_space<hbm>>, %arg4: memref<10000xi32, #tpu.memory_space<vmem>>, %arg5: memref<10240xf32, #tpu.memory_space<vmem>>, %arg6: memref<10240xf32, #tpu.memory_space<vmem>>) attributes {dimension_semantics = [#tpu.dimension_semantics<core_parallel>, #tpu.dimension_semantics<subcore_parallel>], iteration_bounds = array<i64: 2, 16>, scalar_prefetch = 0 : i64, scratch_operands = 3 : i64, tpu.core_type = #tpu.core_type<sc_vector_subcore>, window_params = [{transform_indices = #map}, {transform_indices = #map1}]} {
    %mul3A = arith.constant 16 : i32
    %mul3A_0 = arith.muli %arg0, %mul3A : i32
    %add3A = arith.addi %mul3A_0, %arg1 : i32
    %broadcast_in_dim3A = arith.constant 0.000000e+00 : f32
    %broadcast_in_dim3A_1 = vector.broadcast %broadcast_in_dim3A : f32 to vector<16xf32>
    %broadcast_in_dim3A_2 = arith.constant 1.000000e+00 : f32
    %broadcast_in_dim3A_3 = vector.broadcast %broadcast_in_dim3A_2 : f32 to vector<16xf32>
    %scan3A = arith.constant 0 : i32
    %scan3A_4 = arith.constant 640 : i32
    %scan3A_5 = arith.addi %scan3A, %scan3A_4 : i32
    %scan3A_6 = arith.constant 8 : i32
    scf.for %scan3A_42 = %scan3A to %scan3A_5 step %scan3A_6  : i32 {
      %mul3A_43 = arith.constant 1 : i32
      %mul3A_44 = arith.muli %scan3A_42, %mul3A_43 : i32
      %add3A_45 = arith.constant 0 : i32
      %add3A_46 = arith.addi %add3A_45, %mul3A_44 : i32
      %mul3A_47 = arith.constant 16 : i32
      %mul3A_48 = arith.muli %add3A_46, %mul3A_47 : i32
      %swap3A = arith.index_cast %mul3A_48 : i32 to index
      %swap3A_49 = tpu.vector_load %arg5[%swap3A] {strides = array<i32>} : memref<10240xf32, #tpu.memory_space<vmem>>, vector<16xf32>,
      tpu.vector_store %arg5[%swap3A], %broadcast_in_dim3A_1 {strides = array<i32>} : memref<10240xf32, #tpu.memory_space<vmem>>, vector<16xf32>,
      %mul3A_50 = arith.constant 16 : i32
      %mul3A_51 = arith.muli %add3A_46, %mul3A_50 : i32
      %swap3A_52 = arith.index_cast %mul3A_51 : i32 to index
      %swap3A_53 = tpu.vector_load %arg6[%swap3A_52] {strides = array<i32>} : memref<10240xf32, #tpu.memory_space<vmem>>, vector<16xf32>,
      tpu.vector_store %arg6[%swap3A_52], %broadcast_in_dim3A_1 {strides = array<i32>} : memref<10240xf32, #tpu.memory_space<vmem>>, vector<16xf32>,
      %scan3A_54 = arith.constant 1 : i32
      %scan3A_55 = arith.addi %scan3A_42, %scan3A_54 : i32
      %mul3A_56 = arith.constant 1 : i32
      %mul3A_57 = arith.muli %scan3A_55, %mul3A_56 : i32
      %add3A_58 = arith.constant 0 : i32
      %add3A_59 = arith.addi %add3A_58, %mul3A_57 : i32
      %mul3A_60 = arith.constant 16 : i32
      %mul3A_61 = arith.muli %add3A_59, %mul3A_60 : i32
      %swap3A_62 = arith.index_cast %mul3A_61 : i32 to index
      %swap3A_63 = tpu.vector_load %arg5[%swap3A_62] {strides = array<i32>} : memref<10240xf32, #tpu.memory_space<vmem>>, vector<16xf32>,
      tpu.vector_store %arg5[%swap3A_62], %broadcast_in_dim3A_1 {strides = array<i32>} : memref<10240xf32, #tpu.memory_space<vmem>>, vector<16xf32>,
      %mul3A_64 = arith.constant 16 : i32
      %mul3A_65 = arith.muli %add3A_59, %mul3A_64 : i32
      %swap3A_66 = arith.index_cast %mul3A_65 : i32 to index
      %swap3A_67 = tpu.vector_load %arg6[%swap3A_66] {strides = array<i32>} : memref<10240xf32, #tpu.memory_space<vmem>>, vector<16xf32>,
      tpu.vector_store %arg6[%swap3A_66], %broadcast_in_dim3A_1 {strides = array<i32>} : memref<10240xf32, #tpu.memory_space<vmem>>, vector<16xf32>,
      %scan3A_68 = arith.constant 2 : i32
      %scan3A_69 = arith.addi %scan3A_42, %scan3A_68 : i32
      %mul3A_70 = arith.constant 1 : i32
      %mul3A_71 = arith.muli %scan3A_69, %mul3A_70 : i32
      %add3A_72 = arith.constant 0 : i32
      %add3A_73 = arith.addi %add3A_72, %mul3A_71 : i32
      %mul3A_74 = arith.constant 16 : i32
      %mul3A_75 = arith.muli %add3A_73, %mul3A_74 : i32
      %swap3A_76 = arith.index_cast %mul3A_75 : i32 to index
      %swap3A_77 = tpu.vector_load %arg5[%swap3A_76] {strides = array<i32>} : memref<10240xf32, #tpu.memory_space<vmem>>, vector<16xf32>,
      tpu.vector_store %arg5[%swap3A_76], %broadcast_in_dim3A_1 {strides = array<i32>} : memref<10240xf32, #tpu.memory_space<vmem>>, vector<16xf32>,
      %mul3A_78 = arith.constant 16 : i32
      %mul3A_79 = arith.muli %add3A_73, %mul3A_78 : i32
      %swap3A_80 = arith.index_cast %mul3A_79 : i32 to index
      %swap3A_81 = tpu.vector_load %arg6[%swap3A_80] {strides = array<i32>} : memref<10240xf32, #tpu.memory_space<vmem>>, vector<16xf32>,
      tpu.vector_store %arg6[%swap3A_80], %broadcast_in_dim3A_1 {strides = array<i32>} : memref<10240xf32, #tpu.memory_space<vmem>>, vector<16xf32>,
      %scan3A_82 = arith.constant 3 : i32
      %scan3A_83 = arith.addi %scan3A_42, %scan3A_82 : i32
      %mul3A_84 = arith.constant 1 : i32
      %mul3A_85 = arith.muli %scan3A_83, %mul3A_84 : i32
      %add3A_86 = arith.constant 0 : i32
      %add3A_87 = arith.addi %add3A_86, %mul3A_85 : i32
      %mul3A_88 = arith.constant 16 : i32
      %mul3A_89 = arith.muli %add3A_87, %mul3A_88 : i32
      %swap3A_90 = arith.index_cast %mul3A_89 : i32 to index
      %swap3A_91 = tpu.vector_load %arg5[%swap3A_90] {strides = array<i32>} : memref<10240xf32, #tpu.memory_space<vmem>>, vector<16xf32>,
      tpu.vector_store %arg5[%swap3A_90], %broadcast_in_dim3A_1 {strides = array<i32>} : memref<10240xf32, #tpu.memory_space<vmem>>, vector<16xf32>,
      %mul3A_92 = arith.constant 16 : i32
      %mul3A_93 = arith.muli %add3A_87, %mul3A_92 : i32
      %swap3A_94 = arith.index_cast %mul3A_93 : i32 to index
      %swap3A_95 = tpu.vector_load %arg6[%swap3A_94] {strides = array<i32>} : memref<10240xf32, #tpu.memory_space<vmem>>, vector<16xf32>,
      tpu.vector_store %arg6[%swap3A_94], %broadcast_in_dim3A_1 {strides = array<i32>} : memref<10240xf32, #tpu.memory_space<vmem>>, vector<16xf32>,
      %scan3A_96 = arith.constant 4 : i32
      %scan3A_97 = arith.addi %scan3A_42, %scan3A_96 : i32
      %mul3A_98 = arith.constant 1 : i32
      %mul3A_99 = arith.muli %scan3A_97, %mul3A_98 : i32
      %add3A_100 = arith.constant 0 : i32
      %add3A_101 = arith.addi %add3A_100, %mul3A_99 : i32
      %mul3A_102 = arith.constant 16 : i32
      %mul3A_103 = arith.muli %add3A_101, %mul3A_102 : i32
      %swap3A_104 = arith.index_cast %mul3A_103 : i32 to index
      %swap3A_105 = tpu.vector_load %arg5[%swap3A_104] {strides = array<i32>} : memref<10240xf32, #tpu.memory_space<vmem>>, vector<16xf32>,
      tpu.vector_store %arg5[%swap3A_104], %broadcast_in_dim3A_1 {strides = array<i32>} : memref<10240xf32, #tpu.memory_space<vmem>>, vector<16xf32>,
      %mul3A_106 = arith.constant 16 : i32
      %mul3A_107 = arith.muli %add3A_101, %mul3A_106 : i32
      %swap3A_108 = arith.index_cast %mul3A_107 : i32 to index
      %swap3A_109 = tpu.vector_load %arg6[%swap3A_108] {strides = array<i32>} : memref<10240xf32, #tpu.memory_space<vmem>>, vector<16xf32>,
      tpu.vector_store %arg6[%swap3A_108], %broadcast_in_dim3A_1 {strides = array<i32>} : memref<10240xf32, #tpu.memory_space<vmem>>, vector<16xf32>,
      %scan3A_110 = arith.constant 5 : i32
      %scan3A_111 = arith.addi %scan3A_42, %scan3A_110 : i32
      %mul3A_112 = arith.constant 1 : i32
      %mul3A_113 = arith.muli %scan3A_111, %mul3A_112 : i32
      %add3A_114 = arith.constant 0 : i32
      %add3A_115 = arith.addi %add3A_114, %mul3A_113 : i32
      %mul3A_116 = arith.constant 16 : i32
      %mul3A_117 = arith.muli %add3A_115, %mul3A_116 : i32
      %swap3A_118 = arith.index_cast %mul3A_117 : i32 to index
      %swap3A_119 = tpu.vector_load %arg5[%swap3A_118] {strides = array<i32>} : memref<10240xf32, #tpu.memory_space<vmem>>, vector<16xf32>,
      tpu.vector_store %arg5[%swap3A_118], %broadcast_in_dim3A_1 {strides = array<i32>} : memref<10240xf32, #tpu.memory_space<vmem>>, vector<16xf32>,
      %mul3A_120 = arith.constant 16 : i32
      %mul3A_121 = arith.muli %add3A_115, %mul3A_120 : i32
      %swap3A_122 = arith.index_cast %mul3A_121 : i32 to index
      %swap3A_123 = tpu.vector_load %arg6[%swap3A_122] {strides = array<i32>} : memref<10240xf32, #tpu.memory_space<vmem>>, vector<16xf32>,
      tpu.vector_store %arg6[%swap3A_122], %broadcast_in_dim3A_1 {strides = array<i32>} : memref<10240xf32, #tpu.memory_space<vmem>>, vector<16xf32>,
      %scan3A_124 = arith.constant 6 : i32
      %scan3A_125 = arith.addi %scan3A_42, %scan3A_124 : i32
      %mul3A_126 = arith.constant 1 : i32
      %mul3A_127 = arith.muli %scan3A_125, %mul3A_126 : i32
      %add3A_128 = arith.constant 0 : i32
      %add3A_129 = arith.addi %add3A_128, %mul3A_127 : i32
      %mul3A_130 = arith.constant 16 : i32
      %mul3A_131 = arith.muli %add3A_129, %mul3A_130 : i32
      %swap3A_132 = arith.index_cast %mul3A_131 : i32 to index
      %swap3A_133 = tpu.vector_load %arg5[%swap3A_132] {strides = array<i32>} : memref<10240xf32, #tpu.memory_space<vmem>>, vector<16xf32>,
      tpu.vector_store %arg5[%swap3A_132], %broadcast_in_dim3A_1 {strides = array<i32>} : memref<10240xf32, #tpu.memory_space<vmem>>, vector<16xf32>,
      %mul3A_134 = arith.constant 16 : i32
      %mul3A_135 = arith.muli %add3A_129, %mul3A_134 : i32
      %swap3A_136 = arith.index_cast %mul3A_135 : i32 to index
      %swap3A_137 = tpu.vector_load %arg6[%swap3A_136] {strides = array<i32>} : memref<10240xf32, #tpu.memory_space<vmem>>, vector<16xf32>,
      tpu.vector_store %arg6[%swap3A_136], %broadcast_in_dim3A_1 {strides = array<i32>} : memref<10240xf32, #tpu.memory_space<vmem>>, vector<16xf32>,
      %scan3A_138 = arith.constant 7 : i32
      %scan3A_139 = arith.addi %scan3A_42, %scan3A_138 : i32
      %mul3A_140 = arith.constant 1 : i32
      %mul3A_141 = arith.muli %scan3A_139, %mul3A_140 : i32
      %add3A_142 = arith.constant 0 : i32
      %add3A_143 = arith.addi %add3A_142, %mul3A_141 : i32
      %mul3A_144 = arith.constant 16 : i32
      %mul3A_145 = arith.muli %add3A_143, %mul3A_144 : i32
      %swap3A_146 = arith.index_cast %mul3A_145 : i32 to index
      %swap3A_147 = tpu.vector_load %arg5[%swap3A_146] {strides = array<i32>} : memref<10240xf32, #tpu.memory_space<vmem>>, vector<16xf32>,
      tpu.vector_store %arg5[%swap3A_146], %broadcast_in_dim3A_1 {strides = array<i32>} : memref<10240xf32, #tpu.memory_space<vmem>>, vector<16xf32>,
      %mul3A_148 = arith.constant 16 : i32
      %mul3A_149 = arith.muli %add3A_143, %mul3A_148 : i32
      %swap3A_150 = arith.index_cast %mul3A_149 : i32 to index
      %swap3A_151 = tpu.vector_load %arg6[%swap3A_150] {strides = array<i32>} : memref<10240xf32, #tpu.memory_space<vmem>>, vector<16xf32>,
      tpu.vector_store %arg6[%swap3A_150], %broadcast_in_dim3A_1 {strides = array<i32>} : memref<10240xf32, #tpu.memory_space<vmem>>, vector<16xf32>,
    }
    %scan3A_7 = arith.constant 640 : i32
    %mul3A_8 = arith.constant 10000 : i32
    %mul3A_9 = arith.muli %add3A, %mul3A_8 : i32
    %run_scoped3A = arith.constant 0 : i32
    "tpu.region"() ({
      %run_scoped3A_42 = tpu.sem_alloc : memref<!tpu.dma_semaphore, #tpu.memory_space<semaphore_mem>>
      %dma_start3A = tpu.memref_slice %arg2[%run_scoped3A, %mul3A_9] : memref<2x320000xi32, #tpu.memory_space<hbm>> -> memref<1x10000xi32, #tpu.memory_space<hbm>>
      %dma_start3A_43 = tpu.memref_squeeze %dma_start3A : memref<1x10000xi32, #tpu.memory_space<hbm>> -> memref<10000xi32, #tpu.memory_space<hbm>>
      %dma_start3A_44 = tpu.memref_slice %arg2[%run_scoped3A, %mul3A_9] : memref<2x320000xi32, #tpu.memory_space<hbm>> -> memref<1x10000xi32, #tpu.memory_space<hbm>>
      %dma_start3A_45 = tpu.memref_squeeze %dma_start3A_44 : memref<1x10000xi32, #tpu.memory_space<hbm>> -> memref<10000xi32, #tpu.memory_space<hbm>>
      tpu.enqueue_dma source(%dma_start3A_45 : memref<10000xi32, #tpu.memory_space<hbm>>) target(%arg4 : memref<10000xi32, #tpu.memory_space<vmem>>) target_semaphore(%run_scoped3A_42 : memref<!tpu.dma_semaphore, #tpu.memory_space<semaphore_mem>>)
      %dma_wait3A = tpu.memref_slice %arg2[%run_scoped3A, %mul3A_9] : memref<2x320000xi32, #tpu.memory_space<hbm>> -> memref<1x10000xi32, #tpu.memory_space<hbm>>
      %dma_wait3A_46 = tpu.memref_squeeze %dma_wait3A : memref<1x10000xi32, #tpu.memory_space<hbm>> -> memref<10000xi32, #tpu.memory_space<hbm>>
      %dma_wait3A_47 = tpu.memref_slice %arg2[%run_scoped3A, %mul3A_9] : memref<2x320000xi32, #tpu.memory_space<hbm>> -> memref<1x10000xi32, #tpu.memory_space<hbm>>
      %dma_wait3A_48 = tpu.memref_squeeze %dma_wait3A_47 : memref<1x10000xi32, #tpu.memory_space<hbm>> -> memref<10000xi32, #tpu.memory_space<hbm>>
      tpu.wait_dma2 semaphore(%run_scoped3A_42 : memref<!tpu.dma_semaphore, #tpu.memory_space<semaphore_mem>>) src(%dma_wait3A_48 : memref<10000xi32, #tpu.memory_space<hbm>>) dst(%arg4 : memref<10000xi32, #tpu.memory_space<vmem>>)
      tpu.yield
    }) : () -> ()
    %scan3A_10 = arith.constant 0 : i32
    %scan3A_11 = arith.constant 624 : i32
    %scan3A_12 = arith.addi %scan3A_10, %scan3A_11 : i32
    %scan3A_13 = arith.constant 8 : i32
    scf.for %scan3A_42 = %scan3A_10 to %scan3A_12 step %scan3A_13  : i32 {
      %mul3A_43 = arith.constant 1 : i32
      %mul3A_44 = arith.muli %scan3A_42, %mul3A_43 : i32
      %add3A_45 = arith.constant 0 : i32
      %add3A_46 = arith.addi %add3A_45, %mul3A_44 : i32
      %mul3A_47 = arith.constant 16 : i32
      %mul3A_48 = arith.muli %add3A_46, %mul3A_47 : i32
      %get3A_49 = arith.index_cast %mul3A_48 : i32 to index
      %get3A_50 = tpu.vector_load %arg4[%get3A_49] {strides = array<i32>} : memref<10000xi32, #tpu.memory_space<vmem>>, vector<16xi32>,
      tpu.vector_store_idx %arg5[%get3A_50], %broadcast_in_dim3A_3 {add = true} : memref<10240xf32, #tpu.memory_space<vmem>>[vector<16xi32>], vector<16xf32>,
      %scan3A_51 = arith.constant 1 : i32
      %scan3A_52 = arith.addi %scan3A_42, %scan3A_51 : i32
      %mul3A_53 = arith.constant 1 : i32
      %mul3A_54 = arith.muli %scan3A_52, %mul3A_53 : i32
      %add3A_55 = arith.constant 0 : i32
      %add3A_56 = arith.addi %add3A_55, %mul3A_54 : i32
      %mul3A_57 = arith.constant 16 : i32
      %mul3A_58 = arith.muli %add3A_56, %mul3A_57 : i32
      %get3A_59 = arith.index_cast %mul3A_58 : i32 to index
      %get3A_60 = tpu.vector_load %arg4[%get3A_59] {strides = array<i32>} : memref<10000xi32, #tpu.memory_space<vmem>>, vector<16xi32>,
      tpu.vector_store_idx %arg5[%get3A_60], %broadcast_in_dim3A_3 {add = true} : memref<10240xf32, #tpu.memory_space<vmem>>[vector<16xi32>], vector<16xf32>,
      %scan3A_61 = arith.constant 2 : i32
      %scan3A_62 = arith.addi %scan3A_42, %scan3A_61 : i32
      %mul3A_63 = arith.constant 1 : i32
      %mul3A_64 = arith.muli %scan3A_62, %mul3A_63 : i32
      %add3A_65 = arith.constant 0 : i32
      %add3A_66 = arith.addi %add3A_65, %mul3A_64 : i32
      %mul3A_67 = arith.constant 16 : i32
      %mul3A_68 = arith.muli %add3A_66, %mul3A_67 : i32
      %get3A_69 = arith.index_cast %mul3A_68 : i32 to index
      %get3A_70 = tpu.vector_load %arg4[%get3A_69] {strides = array<i32>} : memref<10000xi32, #tpu.memory_space<vmem>>, vector<16xi32>,
      tpu.vector_store_idx %arg5[%get3A_70], %broadcast_in_dim3A_3 {add = true} : memref<10240xf32, #tpu.memory_space<vmem>>[vector<16xi32>], vector<16xf32>,
      %scan3A_71 = arith.constant 3 : i32
      %scan3A_72 = arith.addi %scan3A_42, %scan3A_71 : i32
      %mul3A_73 = arith.constant 1 : i32
      %mul3A_74 = arith.muli %scan3A_72, %mul3A_73 : i32
      %add3A_75 = arith.constant 0 : i32
      %add3A_76 = arith.addi %add3A_75, %mul3A_74 : i32
      %mul3A_77 = arith.constant 16 : i32
      %mul3A_78 = arith.muli %add3A_76, %mul3A_77 : i32
      %get3A_79 = arith.index_cast %mul3A_78 : i32 to index
      %get3A_80 = tpu.vector_load %arg4[%get3A_79] {strides = array<i32>} : memref<10000xi32, #tpu.memory_space<vmem>>, vector<16xi32>,
      tpu.vector_store_idx %arg5[%get3A_80], %broadcast_in_dim3A_3 {add = true} : memref<10240xf32, #tpu.memory_space<vmem>>[vector<16xi32>], vector<16xf32>,
      %scan3A_81 = arith.constant 4 : i32
      %scan3A_82 = arith.addi %scan3A_42, %scan3A_81 : i32
      %mul3A_83 = arith.constant 1 : i32
      %mul3A_84 = arith.muli %scan3A_82, %mul3A_83 : i32
      %add3A_85 = arith.constant 0 : i32
      %add3A_86 = arith.addi %add3A_85, %mul3A_84 : i32
      %mul3A_87 = arith.constant 16 : i32
      %mul3A_88 = arith.muli %add3A_86, %mul3A_87 : i32
      %get3A_89 = arith.index_cast %mul3A_88 : i32 to index
      %get3A_90 = tpu.vector_load %arg4[%get3A_89] {strides = array<i32>} : memref<10000xi32, #tpu.memory_space<vmem>>, vector<16xi32>,
      tpu.vector_store_idx %arg5[%get3A_90], %broadcast_in_dim3A_3 {add = true} : memref<10240xf32, #tpu.memory_space<vmem>>[vector<16xi32>], vector<16xf32>,
      %scan3A_91 = arith.constant 5 : i32
      %scan3A_92 = arith.addi %scan3A_42, %scan3A_91 : i32
      %mul3A_93 = arith.constant 1 : i32
      %mul3A_94 = arith.muli %scan3A_92, %mul3A_93 : i32
      %add3A_95 = arith.constant 0 : i32
      %add3A_96 = arith.addi %add3A_95, %mul3A_94 : i32
      %mul3A_97 = arith.constant 16 : i32
      %mul3A_98 = arith.muli %add3A_96, %mul3A_97 : i32
      %get3A_99 = arith.index_cast %mul3A_98 : i32 to index
      %get3A_100 = tpu.vector_load %arg4[%get3A_99] {strides = array<i32>} : memref<10000xi32, #tpu.memory_space<vmem>>, vector<16xi32>,
      tpu.vector_store_idx %arg5[%get3A_100], %broadcast_in_dim3A_3 {add = true} : memref<10240xf32, #tpu.memory_space<vmem>>[vector<16xi32>], vector<16xf32>,
      %scan3A_101 = arith.constant 6 : i32
      %scan3A_102 = arith.addi %scan3A_42, %scan3A_101 : i32
      %mul3A_103 = arith.constant 1 : i32
      %mul3A_104 = arith.muli %scan3A_102, %mul3A_103 : i32
      %add3A_105 = arith.constant 0 : i32
      %add3A_106 = arith.addi %add3A_105, %mul3A_104 : i32
      %mul3A_107 = arith.constant 16 : i32
      %mul3A_108 = arith.muli %add3A_106, %mul3A_107 : i32
      %get3A_109 = arith.index_cast %mul3A_108 : i32 to index
      %get3A_110 = tpu.vector_load %arg4[%get3A_109] {strides = array<i32>} : memref<10000xi32, #tpu.memory_space<vmem>>, vector<16xi32>,
      tpu.vector_store_idx %arg5[%get3A_110], %broadcast_in_dim3A_3 {add = true} : memref<10240xf32, #tpu.memory_space<vmem>>[vector<16xi32>], vector<16xf32>,
      %scan3A_111 = arith.constant 7 : i32
      %scan3A_112 = arith.addi %scan3A_42, %scan3A_111 : i32
      %mul3A_113 = arith.constant 1 : i32
      %mul3A_114 = arith.muli %scan3A_112, %mul3A_113 : i32
      %add3A_115 = arith.constant 0 : i32
      %add3A_116 = arith.addi %add3A_115, %mul3A_114 : i32
      %mul3A_117 = arith.constant 16 : i32
      %mul3A_118 = arith.muli %add3A_116, %mul3A_117 : i32
      %get3A_119 = arith.index_cast %mul3A_118 : i32 to index
      %get3A_120 = tpu.vector_load %arg4[%get3A_119] {strides = array<i32>} : memref<10000xi32, #tpu.memory_space<vmem>>, vector<16xi32>,
      tpu.vector_store_idx %arg5[%get3A_120], %broadcast_in_dim3A_3 {add = true} : memref<10240xf32, #tpu.memory_space<vmem>>[vector<16xi32>], vector<16xf32>,
    }
    %scan3A_14 = arith.constant 624 : i32
    %scan3A_15 = arith.addi %scan3A_10, %scan3A_14 : i32
    %mul3A_16 = arith.constant 1 : i32
    %mul3A_17 = arith.muli %scan3A_15, %mul3A_16 : i32
    %add3A_18 = arith.constant 0 : i32
    %add3A_19 = arith.addi %add3A_18, %mul3A_17 : i32
    %mul3A_20 = arith.constant 16 : i32
    %mul3A_21 = arith.muli %add3A_19, %mul3A_20 : i32
    %get3A = arith.index_cast %mul3A_21 : i32 to index
    %get3A_22 = tpu.vector_load %arg4[%get3A] {strides = array<i32>} : memref<10000xi32, #tpu.memory_space<vmem>>, vector<16xi32>,
    tpu.vector_store_idx %arg5[%get3A_22], %broadcast_in_dim3A_3 {add = true} : memref<10240xf32, #tpu.memory_space<vmem>>[vector<16xi32>], vector<16xf32>,
    %scan3A_23 = arith.constant 625 : i32
    %run_scoped3A_24 = arith.constant 1 : i32
    "tpu.region"() ({
      %run_scoped3A_42 = tpu.sem_alloc : memref<!tpu.dma_semaphore, #tpu.memory_space<semaphore_mem>>
      %dma_start3A = tpu.memref_slice %arg2[%run_scoped3A_24, %mul3A_9] : memref<2x320000xi32, #tpu.memory_space<hbm>> -> memref<1x10000xi32, #tpu.memory_space<hbm>>
      %dma_start3A_43 = tpu.memref_squeeze %dma_start3A : memref<1x10000xi32, #tpu.memory_space<hbm>> -> memref<10000xi32, #tpu.memory_space<hbm>>
      %dma_start3A_44 = tpu.memref_slice %arg2[%run_scoped3A_24, %mul3A_9] : memref<2x320000xi32, #tpu.memory_space<hbm>> -> memref<1x10000xi32, #tpu.memory_space<hbm>>
      %dma_start3A_45 = tpu.memref_squeeze %dma_start3A_44 : memref<1x10000xi32, #tpu.memory_space<hbm>> -> memref<10000xi32, #tpu.memory_space<hbm>>
      tpu.enqueue_dma source(%dma_start3A_45 : memref<10000xi32, #tpu.memory_space<hbm>>) target(%arg4 : memref<10000xi32, #tpu.memory_space<vmem>>) target_semaphore(%run_scoped3A_42 : memref<!tpu.dma_semaphore, #tpu.memory_space<semaphore_mem>>)
      %dma_wait3A = tpu.memref_slice %arg2[%run_scoped3A_24, %mul3A_9] : memref<2x320000xi32, #tpu.memory_space<hbm>> -> memref<1x10000xi32, #tpu.memory_space<hbm>>
      %dma_wait3A_46 = tpu.memref_squeeze %dma_wait3A : memref<1x10000xi32, #tpu.memory_space<hbm>> -> memref<10000xi32, #tpu.memory_space<hbm>>
      %dma_wait3A_47 = tpu.memref_slice %arg2[%run_scoped3A_24, %mul3A_9] : memref<2x320000xi32, #tpu.memory_space<hbm>> -> memref<1x10000xi32, #tpu.memory_space<hbm>>
      %dma_wait3A_48 = tpu.memref_squeeze %dma_wait3A_47 : memref<1x10000xi32, #tpu.memory_space<hbm>> -> memref<10000xi32, #tpu.memory_space<hbm>>
      tpu.wait_dma2 semaphore(%run_scoped3A_42 : memref<!tpu.dma_semaphore, #tpu.memory_space<semaphore_mem>>) src(%dma_wait3A_48 : memref<10000xi32, #tpu.memory_space<hbm>>) dst(%arg4 : memref<10000xi32, #tpu.memory_space<vmem>>)
      tpu.yield
    }) : () -> ()
    %scan3A_25 = arith.constant 0 : i32
    %scan3A_26 = arith.constant 624 : i32
    %scan3A_27 = arith.addi %scan3A_25, %scan3A_26 : i32
    %scan3A_28 = arith.constant 8 : i32
    scf.for %scan3A_42 = %scan3A_25 to %scan3A_27 step %scan3A_28  : i32 {
      %mul3A_43 = arith.constant 1 : i32
      %mul3A_44 = arith.muli %scan3A_42, %mul3A_43 : i32
      %add3A_45 = arith.constant 0 : i32
      %add3A_46 = arith.addi %add3A_45, %mul3A_44 : i32
      %mul3A_47 = arith.constant 16 : i32
      %mul3A_48 = arith.muli %add3A_46, %mul3A_47 : i32
      %get3A_49 = arith.index_cast %mul3A_48 : i32 to index
      %get3A_50 = tpu.vector_load %arg4[%get3A_49] {strides = array<i32>} : memref<10000xi32, #tpu.memory_space<vmem>>, vector<16xi32>,
      tpu.vector_store_idx %arg6[%get3A_50], %broadcast_in_dim3A_3 {add = true} : memref<10240xf32, #tpu.memory_space<vmem>>[vector<16xi32>], vector<16xf32>,
      %scan3A_51 = arith.constant 1 : i32
      %scan3A_52 = arith.addi %scan3A_42, %scan3A_51 : i32
      %mul3A_53 = arith.constant 1 : i32
      %mul3A_54 = arith.muli %scan3A_52, %mul3A_53 : i32
      %add3A_55 = arith.constant 0 : i32
      %add3A_56 = arith.addi %add3A_55, %mul3A_54 : i32
      %mul3A_57 = arith.constant 16 : i32
      %mul3A_58 = arith.muli %add3A_56, %mul3A_57 : i32
      %get3A_59 = arith.index_cast %mul3A_58 : i32 to index
      %get3A_60 = tpu.vector_load %arg4[%get3A_59] {strides = array<i32>} : memref<10000xi32, #tpu.memory_space<vmem>>, vector<16xi32>,
      tpu.vector_store_idx %arg6[%get3A_60], %broadcast_in_dim3A_3 {add = true} : memref<10240xf32, #tpu.memory_space<vmem>>[vector<16xi32>], vector<16xf32>,
      %scan3A_61 = arith.constant 2 : i32
      %scan3A_62 = arith.addi %scan3A_42, %scan3A_61 : i32
      %mul3A_63 = arith.constant 1 : i32
      %mul3A_64 = arith.muli %scan3A_62, %mul3A_63 : i32
      %add3A_65 = arith.constant 0 : i32
      %add3A_66 = arith.addi %add3A_65, %mul3A_64 : i32
      %mul3A_67 = arith.constant 16 : i32
      %mul3A_68 = arith.muli %add3A_66, %mul3A_67 : i32
      %get3A_69 = arith.index_cast %mul3A_68 : i32 to index
      %get3A_70 = tpu.vector_load %arg4[%get3A_69] {strides = array<i32>} : memref<10000xi32, #tpu.memory_space<vmem>>, vector<16xi32>,
      tpu.vector_store_idx %arg6[%get3A_70], %broadcast_in_dim3A_3 {add = true} : memref<10240xf32, #tpu.memory_space<vmem>>[vector<16xi32>], vector<16xf32>,
      %scan3A_71 = arith.constant 3 : i32
      %scan3A_72 = arith.addi %scan3A_42, %scan3A_71 : i32
      %mul3A_73 = arith.constant 1 : i32
      %mul3A_74 = arith.muli %scan3A_72, %mul3A_73 : i32
      %add3A_75 = arith.constant 0 : i32
      %add3A_76 = arith.addi %add3A_75, %mul3A_74 : i32
      %mul3A_77 = arith.constant 16 : i32
      %mul3A_78 = arith.muli %add3A_76, %mul3A_77 : i32
      %get3A_79 = arith.index_cast %mul3A_78 : i32 to index
      %get3A_80 = tpu.vector_load %arg4[%get3A_79] {strides = array<i32>} : memref<10000xi32, #tpu.memory_space<vmem>>, vector<16xi32>,
      tpu.vector_store_idx %arg6[%get3A_80], %broadcast_in_dim3A_3 {add = true} : memref<10240xf32, #tpu.memory_space<vmem>>[vector<16xi32>], vector<16xf32>,
      %scan3A_81 = arith.constant 4 : i32
      %scan3A_82 = arith.addi %scan3A_42, %scan3A_81 : i32
      %mul3A_83 = arith.constant 1 : i32
      %mul3A_84 = arith.muli %scan3A_82, %mul3A_83 : i32
      %add3A_85 = arith.constant 0 : i32
      %add3A_86 = arith.addi %add3A_85, %mul3A_84 : i32
      %mul3A_87 = arith.constant 16 : i32
      %mul3A_88 = arith.muli %add3A_86, %mul3A_87 : i32
      %get3A_89 = arith.index_cast %mul3A_88 : i32 to index
      %get3A_90 = tpu.vector_load %arg4[%get3A_89] {strides = array<i32>} : memref<10000xi32, #tpu.memory_space<vmem>>, vector<16xi32>,
      tpu.vector_store_idx %arg6[%get3A_90], %broadcast_in_dim3A_3 {add = true} : memref<10240xf32, #tpu.memory_space<vmem>>[vector<16xi32>], vector<16xf32>,
      %scan3A_91 = arith.constant 5 : i32
      %scan3A_92 = arith.addi %scan3A_42, %scan3A_91 : i32
      %mul3A_93 = arith.constant 1 : i32
      %mul3A_94 = arith.muli %scan3A_92, %mul3A_93 : i32
      %add3A_95 = arith.constant 0 : i32
      %add3A_96 = arith.addi %add3A_95, %mul3A_94 : i32
      %mul3A_97 = arith.constant 16 : i32
      %mul3A_98 = arith.muli %add3A_96, %mul3A_97 : i32
      %get3A_99 = arith.index_cast %mul3A_98 : i32 to index
      %get3A_100 = tpu.vector_load %arg4[%get3A_99] {strides = array<i32>} : memref<10000xi32, #tpu.memory_space<vmem>>, vector<16xi32>,
      tpu.vector_store_idx %arg6[%get3A_100], %broadcast_in_dim3A_3 {add = true} : memref<10240xf32, #tpu.memory_space<vmem>>[vector<16xi32>], vector<16xf32>,
      %scan3A_101 = arith.constant 6 : i32
      %scan3A_102 = arith.addi %scan3A_42, %scan3A_101 : i32
      %mul3A_103 = arith.constant 1 : i32
      %mul3A_104 = arith.muli %scan3A_102, %mul3A_103 : i32
      %add3A_105 = arith.constant 0 : i32
      %add3A_106 = arith.addi %add3A_105, %mul3A_104 : i32
      %mul3A_107 = arith.constant 16 : i32
      %mul3A_108 = arith.muli %add3A_106, %mul3A_107 : i32
      %get3A_109 = arith.index_cast %mul3A_108 : i32 to index
      %get3A_110 = tpu.vector_load %arg4[%get3A_109] {strides = array<i32>} : memref<10000xi32, #tpu.memory_space<vmem>>, vector<16xi32>,
      tpu.vector_store_idx %arg6[%get3A_110], %broadcast_in_dim3A_3 {add = true} : memref<10240xf32, #tpu.memory_space<vmem>>[vector<16xi32>], vector<16xf32>,
      %scan3A_111 = arith.constant 7 : i32
      %scan3A_112 = arith.addi %scan3A_42, %scan3A_111 : i32
      %mul3A_113 = arith.constant 1 : i32
      %mul3A_114 = arith.muli %scan3A_112, %mul3A_113 : i32
      %add3A_115 = arith.constant 0 : i32
      %add3A_116 = arith.addi %add3A_115, %mul3A_114 : i32
      %mul3A_117 = arith.constant 16 : i32
      %mul3A_118 = arith.muli %add3A_116, %mul3A_117 : i32
      %get3A_119 = arith.index_cast %mul3A_118 : i32 to index
      %get3A_120 = tpu.vector_load %arg4[%get3A_119] {strides = array<i32>} : memref<10000xi32, #tpu.memory_space<vmem>>, vector<16xi32>,
      tpu.vector_store_idx %arg6[%get3A_120], %broadcast_in_dim3A_3 {add = true} : memref<10240xf32, #tpu.memory_space<vmem>>[vector<16xi32>], vector<16xf32>,
    }
    %scan3A_29 = arith.constant 624 : i32
    %scan3A_30 = arith.addi %scan3A_25, %scan3A_29 : i32
    %mul3A_31 = arith.constant 1 : i32
    %mul3A_32 = arith.muli %scan3A_30, %mul3A_31 : i32
    %add3A_33 = arith.constant 0 : i32
    %add3A_34 = arith.addi %add3A_33, %mul3A_32 : i32
    %mul3A_35 = arith.constant 16 : i32
    %mul3A_36 = arith.muli %add3A_34, %mul3A_35 : i32
    %get3A_37 = arith.index_cast %mul3A_36 : i32 to index
    %get3A_38 = tpu.vector_load %arg4[%get3A_37] {strides = array<i32>} : memref<10000xi32, #tpu.memory_space<vmem>>, vector<16xi32>,
    tpu.vector_store_idx %arg6[%get3A_38], %broadcast_in_dim3A_3 {add = true} : memref<10240xf32, #tpu.memory_space<vmem>>[vector<16xi32>], vector<16xf32>,
    %scan3A_39 = arith.constant 625 : i32
    %run_scoped3A_40 = arith.constant 0 : i32
    "tpu.region"() ({
      %run_scoped3A_42 = tpu.sem_alloc : memref<!tpu.dma_semaphore, #tpu.memory_space<semaphore_mem>>
      %dma_start3A = arith.constant 0 : i32
      %dma_start3A_43 = tpu.memref_slice %arg3[%add3A, %run_scoped3A_40, %dma_start3A] : memref<32x2x10240xf32, #tpu.memory_space<hbm>> -> memref<1x1x10240xf32, #tpu.memory_space<hbm>>
      %dma_start3A_44 = tpu.memref_squeeze %dma_start3A_43 : memref<1x1x10240xf32, #tpu.memory_space<hbm>> -> memref<10240xf32, #tpu.memory_space<hbm>>
      %dma_start3A_45 = arith.constant 0 : i32
      %dma_start3A_46 = tpu.memref_slice %arg3[%add3A, %run_scoped3A_40, %dma_start3A_45] : memref<32x2x10240xf32, #tpu.memory_space<hbm>> -> memref<1x1x10240xf32, #tpu.memory_space<hbm>>
      %dma_start3A_47 = tpu.memref_squeeze %dma_start3A_46 : memref<1x1x10240xf32, #tpu.memory_space<hbm>> -> memref<10240xf32, #tpu.memory_space<hbm>>
      tpu.enqueue_dma source(%arg5 : memref<10240xf32, #tpu.memory_space<vmem>>) target(%dma_start3A_47 : memref<10240xf32, #tpu.memory_space<hbm>>) target_semaphore(%run_scoped3A_42 : memref<!tpu.dma_semaphore, #tpu.memory_space<semaphore_mem>>)
      %dma_wait3A = arith.constant 0 : i32
      %dma_wait3A_48 = tpu.memref_slice %arg3[%add3A, %run_scoped3A_40, %dma_wait3A] : memref<32x2x10240xf32, #tpu.memory_space<hbm>> -> memref<1x1x10240xf32, #tpu.memory_space<hbm>>
      %dma_wait3A_49 = tpu.memref_squeeze %dma_wait3A_48 : memref<1x1x10240xf32, #tpu.memory_space<hbm>> -> memref<10240xf32, #tpu.memory_space<hbm>>
      %dma_wait3A_50 = arith.constant 0 : i32
      %dma_wait3A_51 = tpu.memref_slice %arg3[%add3A, %run_scoped3A_40, %dma_wait3A_50] : memref<32x2x10240xf32, #tpu.memory_space<hbm>> -> memref<1x1x10240xf32, #tpu.memory_space<hbm>>
      %dma_wait3A_52 = tpu.memref_squeeze %dma_wait3A_51 : memref<1x1x10240xf32, #tpu.memory_space<hbm>> -> memref<10240xf32, #tpu.memory_space<hbm>>
      tpu.wait_dma2 semaphore(%run_scoped3A_42 : memref<!tpu.dma_semaphore, #tpu.memory_space<semaphore_mem>>) src(%arg5 : memref<10240xf32, #tpu.memory_space<vmem>>) dst(%dma_wait3A_52 : memref<10240xf32, #tpu.memory_space<hbm>>)
      tpu.yield
    }) : () -> ()
    %run_scoped3A_41 = arith.constant 1 : i32
    "tpu.region"() ({
      %run_scoped3A_42 = tpu.sem_alloc : memref<!tpu.dma_semaphore, #tpu.memory_space<semaphore_mem>>
      %dma_start3A = arith.constant 0 : i32
      %dma_start3A_43 = tpu.memref_slice %arg3[%add3A, %run_scoped3A_41, %dma_start3A] : memref<32x2x10240xf32, #tpu.memory_space<hbm>> -> memref<1x1x10240xf32, #tpu.memory_space<hbm>>
      %dma_start3A_44 = tpu.memref_squeeze %dma_start3A_43 : memref<1x1x10240xf32, #tpu.memory_space<hbm>> -> memref<10240xf32, #tpu.memory_space<hbm>>
      %dma_start3A_45 = arith.constant 0 : i32
      %dma_start3A_46 = tpu.memref_slice %arg3[%add3A, %run_scoped3A_41, %dma_start3A_45] : memref<32x2x10240xf32, #tpu.memory_space<hbm>> -> memref<1x1x10240xf32, #tpu.memory_space<hbm>>
      %dma_start3A_47 = tpu.memref_squeeze %dma_start3A_46 : memref<1x1x10240xf32, #tpu.memory_space<hbm>> -> memref<10240xf32, #tpu.memory_space<hbm>>
      tpu.enqueue_dma source(%arg6 : memref<10240xf32, #tpu.memory_space<vmem>>) target(%dma_start3A_47 : memref<10240xf32, #tpu.memory_space<hbm>>) target_semaphore(%run_scoped3A_42 : memref<!tpu.dma_semaphore, #tpu.memory_space<semaphore_mem>>)
      %dma_wait3A = arith.constant 0 : i32
      %dma_wait3A_48 = tpu.memref_slice %arg3[%add3A, %run_scoped3A_41, %dma_wait3A] : memref<32x2x10240xf32, #tpu.memory_space<hbm>> -> memref<1x1x10240xf32, #tpu.memory_space<hbm>>
      %dma_wait3A_49 = tpu.memref_squeeze %dma_wait3A_48 : memref<1x1x10240xf32, #tpu.memory_space<hbm>> -> memref<10240xf32, #tpu.memory_space<hbm>>
      %dma_wait3A_50 = arith.constant 0 : i32
      %dma_wait3A_51 = tpu.memref_slice %arg3[%add3A, %run_scoped3A_41, %dma_wait3A_50] : memref<32x2x10240xf32, #tpu.memory_space<hbm>> -> memref<1x1x10240xf32, #tpu.memory_space<hbm>>
      %dma_wait3A_52 = tpu.memref_squeeze %dma_wait3A_51 : memref<1x1x10240xf32, #tpu.memory_space<hbm>> -> memref<10240xf32, #tpu.memory_space<hbm>>
      tpu.wait_dma2 semaphore(%run_scoped3A_42 : memref<!tpu.dma_semaphore, #tpu.memory_space<semaphore_mem>>) src(%arg6 : memref<10240xf32, #tpu.memory_space<vmem>>) dst(%dma_wait3A_52 : memref<10240xf32, #tpu.memory_space<hbm>>)
      tpu.yield
    }) : () -> ()
    return
  }
}

#map = affine_map<(d0, d1) -> (0, 0)>
#map1 = affine_map<(d0, d1) -> (0, 0, 0)>
module attributes {stable_mosaic.version = 14 : i64} {
  func.func @_sc_aggregate(%arg0: i32, %arg1: i32, %arg2: memref<10000x128xf32, #tpu.memory_space<hbm>>, %arg3: memref<2x320000xi32, #tpu.memory_space<hbm>>, %arg4: memref<2x10000x128xf32, #tpu.memory_space<hbm>>, %arg5: memref<10000xi32, #tpu.memory_space<vmem>>, %arg6: memref<128xi32, #tpu.memory_space<vmem>>, %arg7: memref<128xi32, #tpu.memory_space<vmem>>, %arg8: memref<16xi32, #tpu.memory_space<vmem>>, %arg9: memref<128x128xf32, #tpu.memory_space<vmem>>, %arg10: memref<128x128xf32, #tpu.memory_space<vmem>>, %arg11: memref<25x128xf32, #tpu.memory_space<vmem>>, %arg12: memref<10000x128xf32, #tpu.memory_space<vmem_shared>>, %arg13: memref<!tpu.dma_semaphore, #tpu.memory_space<semaphore_mem>>, %arg14: memref<!tpu.dma_semaphore, #tpu.memory_space<semaphore_mem>>, %arg15: memref<!tpu.dma_semaphore, #tpu.memory_space<semaphore_mem>>, %arg16: memref<!tpu.dma_semaphore, #tpu.memory_space<semaphore_mem>>) attributes {dimension_semantics = [#tpu.dimension_semantics<core_parallel>, #tpu.dimension_semantics<subcore_parallel>], iteration_bounds = array<i64: 2, 16>, scalar_prefetch = 0 : i64, scratch_operands = 12 : i64, tpu.core_type = #tpu.core_type<sc_vector_subcore>, window_params = [{transform_indices = #map}, {transform_indices = #map}, {transform_indices = #map1}]} {
    %mul3A = arith.constant 16 : i32
    %mul3A_0 = arith.muli %arg0, %mul3A : i32
    %add3A = arith.addi %mul3A_0, %arg1 : i32
    %broadcast_in_dim3A = arith.constant 0.000000e+00 : f32
    %broadcast_in_dim3A_1 = vector.broadcast %broadcast_in_dim3A : f32 to vector<16xf32>
    %mul3A_2 = arith.constant 10000 : i32
    %mul3A_3 = arith.muli %add3A, %mul3A_2 : i32
    %dma_start3A = arith.constant 0 : i32
    %dma_start3A_4 = tpu.memref_slice %arg3[%dma_start3A, %mul3A_3] : memref<2x320000xi32, #tpu.memory_space<hbm>> -> memref<1x10000xi32, #tpu.memory_space<hbm>>
    %dma_start3A_5 = tpu.memref_squeeze %dma_start3A_4 : memref<1x10000xi32, #tpu.memory_space<hbm>> -> memref<10000xi32, #tpu.memory_space<hbm>>
    %dma_start3A_6 = tpu.memref_slice %arg3[%dma_start3A, %mul3A_3] : memref<2x320000xi32, #tpu.memory_space<hbm>> -> memref<1x10000xi32, #tpu.memory_space<hbm>>
    %dma_start3A_7 = tpu.memref_squeeze %dma_start3A_6 : memref<1x10000xi32, #tpu.memory_space<hbm>> -> memref<10000xi32, #tpu.memory_space<hbm>>
    tpu.enqueue_dma source(%dma_start3A_7 : memref<10000xi32, #tpu.memory_space<hbm>>) target(%arg5 : memref<10000xi32, #tpu.memory_space<vmem>>) target_semaphore(%arg13 : memref<!tpu.dma_semaphore, #tpu.memory_space<semaphore_mem>>)
    %scan3A = arith.constant 0 : i32
    %scan3A_8 = arith.constant 25 : i32
    %scan3A_9 = arith.addi %scan3A, %scan3A_8 : i32
    %scan3A_10 = arith.constant 1 : i32
    scf.for %scan3A_62 = %scan3A to %scan3A_9 step %scan3A_10  : i32 {
      %mul3A_63 = arith.constant 1 : i32
      %mul3A_64 = arith.muli %scan3A_62, %mul3A_63 : i32
      %add3A_65 = arith.constant 0 : i32
      %add3A_66 = arith.addi %add3A_65, %mul3A_64 : i32
      %scan3A_67 = arith.constant 0 : i32
      %scan3A_68 = arith.constant 8 : i32
      %scan3A_69 = arith.addi %scan3A_67, %scan3A_68 : i32
      %scan3A_70 = arith.constant 1 : i32
      scf.for %scan3A_72 = %scan3A_67 to %scan3A_69 step %scan3A_70  : i32 {
        %mul3A_73 = arith.constant 1 : i32
        %mul3A_74 = arith.muli %scan3A_72, %mul3A_73 : i32
        %add3A_75 = arith.constant 0 : i32
        %add3A_76 = arith.addi %add3A_75, %mul3A_74 : i32
        %mul3A_77 = arith.constant 16 : i32
        %mul3A_78 = arith.muli %add3A_76, %mul3A_77 : i32
        %swap3A = arith.index_cast %add3A_66 : i32 to index
        %swap3A_79 = arith.index_cast %mul3A_78 : i32 to index
        %swap3A_80 = tpu.vector_load %arg11[%swap3A, %swap3A_79] {strides = array<i32>} : memref<25x128xf32, #tpu.memory_space<vmem>>, vector<16xf32>,
        tpu.vector_store %arg11[%swap3A, %swap3A_79], %broadcast_in_dim3A_1 {strides = array<i32>} : memref<25x128xf32, #tpu.memory_space<vmem>>, vector<16xf32>,
      }
      %scan3A_71 = arith.constant 8 : i32
    }
    %scan3A_11 = arith.constant 25 : i32
    %mul3A_12 = arith.constant 625 : i32
    %mul3A_13 = arith.muli %arg1, %mul3A_12 : i32
    %scan3A_14 = arith.constant 0 : i32
    %scan3A_15 = arith.constant 25 : i32
    %scan3A_16 = arith.addi %scan3A_14, %scan3A_15 : i32
    %scan3A_17 = arith.constant 1 : i32
    scf.for %scan3A_62 = %scan3A_14 to %scan3A_16 step %scan3A_17  : i32 {
      %mul3A_63 = arith.constant 1 : i32
      %mul3A_64 = arith.muli %scan3A_62, %mul3A_63 : i32
      %add3A_65 = arith.constant 0 : i32
      %add3A_66 = arith.addi %add3A_65, %mul3A_64 : i32
      %mul3A_67 = arith.constant 25 : i32
      %mul3A_68 = arith.muli %add3A_66, %mul3A_67 : i32
      %add3A_69 = arith.addi %mul3A_13, %mul3A_68 : i32
      "tpu.region"() ({
        %run_scoped3A_70 = tpu.sem_alloc : memref<!tpu.dma_semaphore, #tpu.memory_space<semaphore_mem>>
        %dma_start3A_71 = arith.constant 0 : i32
        %dma_start3A_72 = tpu.memref_slice %arg12[%add3A_69, %dma_start3A_71] : memref<10000x128xf32, #tpu.memory_space<vmem_shared>> -> memref<25x128xf32, #tpu.memory_space<vmem_shared>>
        %dma_start3A_73 = arith.constant 0 : i32
        %dma_start3A_74 = tpu.memref_slice %arg12[%add3A_69, %dma_start3A_73] : memref<10000x128xf32, #tpu.memory_space<vmem_shared>> -> memref<25x128xf32, #tpu.memory_space<vmem_shared>>
        tpu.enqueue_dma source(%arg11 : memref<25x128xf32, #tpu.memory_space<vmem>>) target(%dma_start3A_74 : memref<25x128xf32, #tpu.memory_space<vmem_shared>>) target_semaphore(%run_scoped3A_70 : memref<!tpu.dma_semaphore, #tpu.memory_space<semaphore_mem>>)
        %dma_wait3A_75 = arith.constant 0 : i32
        %dma_wait3A_76 = tpu.memref_slice %arg12[%add3A_69, %dma_wait3A_75] : memref<10000x128xf32, #tpu.memory_space<vmem_shared>> -> memref<25x128xf32, #tpu.memory_space<vmem_shared>>
        %dma_wait3A_77 = arith.constant 0 : i32
        %dma_wait3A_78 = tpu.memref_slice %arg12[%add3A_69, %dma_wait3A_77] : memref<10000x128xf32, #tpu.memory_space<vmem_shared>> -> memref<25x128xf32, #tpu.memory_space<vmem_shared>>
        tpu.wait_dma2 semaphore(%run_scoped3A_70 : memref<!tpu.dma_semaphore, #tpu.memory_space<semaphore_mem>>) src(%arg11 : memref<25x128xf32, #tpu.memory_space<vmem>>) dst(%dma_wait3A_78 : memref<25x128xf32, #tpu.memory_space<vmem_shared>>)
        tpu.yield
      }) : () -> ()
    }
    %scan3A_18 = arith.constant 25 : i32
    %dma_wait3A = arith.constant 0 : i32
    %dma_wait3A_19 = tpu.memref_slice %arg3[%dma_wait3A, %mul3A_3] : memref<2x320000xi32, #tpu.memory_space<hbm>> -> memref<1x10000xi32, #tpu.memory_space<hbm>>
    %dma_wait3A_20 = tpu.memref_squeeze %dma_wait3A_19 : memref<1x10000xi32, #tpu.memory_space<hbm>> -> memref<10000xi32, #tpu.memory_space<hbm>>
    %dma_wait3A_21 = tpu.memref_slice %arg3[%dma_wait3A, %mul3A_3] : memref<2x320000xi32, #tpu.memory_space<hbm>> -> memref<1x10000xi32, #tpu.memory_space<hbm>>
    %dma_wait3A_22 = tpu.memref_squeeze %dma_wait3A_21 : memref<1x10000xi32, #tpu.memory_space<hbm>> -> memref<10000xi32, #tpu.memory_space<hbm>>
    tpu.wait_dma2 semaphore(%arg13 : memref<!tpu.dma_semaphore, #tpu.memory_space<semaphore_mem>>) src(%dma_wait3A_22 : memref<10000xi32, #tpu.memory_space<hbm>>) dst(%arg5 : memref<10000xi32, #tpu.memory_space<vmem>>)
    %barrier3A = arith.constant 0 : index
    tpu.barrier barrier_id(%barrier3A)
    %multiple_of3A = arith.constant 0 : i32
    %multiple_of3A_23 = tpu.assume_multiple %multiple_of3A, 8 : i32
    %dma_start3A_24 = tpu.memref_slice %arg5[%multiple_of3A_23] : memref<10000xi32, #tpu.memory_space<vmem>> -> memref<128xi32, #tpu.memory_space<vmem>>
    %dma_start3A_25 = arith.constant 0 : i32
    %dma_start3A_26 = arith.constant 0 : i32
    %dma_start3A_27 = tpu.memref_slice %arg2[%dma_start3A_25, %dma_start3A_26] : memref<10000x128xf32, #tpu.memory_space<hbm>> -> memref<10000x128xf32, #tpu.memory_space<hbm>>
    tpu.enqueue_indirect_dma source(%dma_start3A_27 : memref<10000x128xf32, #tpu.memory_space<hbm>>) target(%arg9 : memref<128x128xf32, #tpu.memory_space<vmem>>) offsets(%dma_start3A_24 : memref<128xi32, #tpu.memory_space<vmem>>) semaphore(%arg13 : memref<!tpu.dma_semaphore, #tpu.memory_space<semaphore_mem>>)
    %add3A_28 = arith.addi %mul3A_3, %multiple_of3A_23 : i32
    %dma_start3A_29 = arith.constant 1 : i32
    %dma_start3A_30 = tpu.memref_slice %arg3[%dma_start3A_29, %add3A_28] : memref<2x320000xi32, #tpu.memory_space<hbm>> -> memref<1x128xi32, #tpu.memory_space<hbm>>
    %dma_start3A_31 = tpu.memref_squeeze %dma_start3A_30 : memref<1x128xi32, #tpu.memory_space<hbm>> -> memref<128xi32, #tpu.memory_space<hbm>>
    %dma_start3A_32 = tpu.memref_slice %arg3[%dma_start3A_29, %add3A_28] : memref<2x320000xi32, #tpu.memory_space<hbm>> -> memref<1x128xi32, #tpu.memory_space<hbm>>
    %dma_start3A_33 = tpu.memref_squeeze %dma_start3A_32 : memref<1x128xi32, #tpu.memory_space<hbm>> -> memref<128xi32, #tpu.memory_space<hbm>>
    tpu.enqueue_dma source(%dma_start3A_33 : memref<128xi32, #tpu.memory_space<hbm>>) target(%arg6 : memref<128xi32, #tpu.memory_space<vmem>>) target_semaphore(%arg15 : memref<!tpu.dma_semaphore, #tpu.memory_space<semaphore_mem>>)
    %scan3A_34 = arith.constant 0 : i32
    %scan3A_35 = arith.constant 39 : i32
    %scan3A_36 = arith.addi %scan3A_34, %scan3A_35 : i32
    %scan3A_37 = arith.constant 1 : i32
    scf.for %scan3A_62 = %scan3A_34 to %scan3A_36 step %scan3A_37  : i32 {
      %mul3A_63 = arith.constant 1 : i32
      %mul3A_64 = arith.muli %scan3A_62, %mul3A_63 : i32
      %add3A_65 = arith.constant 0 : i32
      %add3A_66 = arith.addi %add3A_65, %mul3A_64 : i32
      %mul3A_67 = arith.constant 2 : i32
      %mul3A_68 = arith.muli %add3A_66, %mul3A_67 : i32
      %add3A_69 = arith.constant 1 : i32
      %add3A_70 = arith.addi %mul3A_68, %add3A_69 : i32
      %mul3A_71 = arith.constant 128 : i32
      %mul3A_72 = arith.muli %add3A_70, %mul3A_71 : i32
      %multiple_of3A_73 = tpu.assume_multiple %mul3A_72, 8 : i32
      %dma_start3A_74 = tpu.memref_slice %arg5[%multiple_of3A_73] : memref<10000xi32, #tpu.memory_space<vmem>> -> memref<128xi32, #tpu.memory_space<vmem>>
      %dma_start3A_75 = arith.constant 0 : i32
      %dma_start3A_76 = arith.constant 0 : i32
      %dma_start3A_77 = tpu.memref_slice %arg2[%dma_start3A_75, %dma_start3A_76] : memref<10000x128xf32, #tpu.memory_space<hbm>> -> memref<10000x128xf32, #tpu.memory_space<hbm>>
      tpu.enqueue_indirect_dma source(%dma_start3A_77 : memref<10000x128xf32, #tpu.memory_space<hbm>>) target(%arg10 : memref<128x128xf32, #tpu.memory_space<vmem>>) offsets(%dma_start3A_74 : memref<128xi32, #tpu.memory_space<vmem>>) semaphore(%arg14 : memref<!tpu.dma_semaphore, #tpu.memory_space<semaphore_mem>>)
      %add3A_78 = arith.addi %mul3A_3, %multiple_of3A_73 : i32
      %dma_start3A_79 = arith.constant 1 : i32
      %dma_start3A_80 = tpu.memref_slice %arg3[%dma_start3A_79, %add3A_78] : memref<2x320000xi32, #tpu.memory_space<hbm>> -> memref<1x128xi32, #tpu.memory_space<hbm>>
      %dma_start3A_81 = tpu.memref_squeeze %dma_start3A_80 : memref<1x128xi32, #tpu.memory_space<hbm>> -> memref<128xi32, #tpu.memory_space<hbm>>
      %dma_start3A_82 = tpu.memref_slice %arg3[%dma_start3A_79, %add3A_78] : memref<2x320000xi32, #tpu.memory_space<hbm>> -> memref<1x128xi32, #tpu.memory_space<hbm>>
      %dma_start3A_83 = tpu.memref_squeeze %dma_start3A_82 : memref<1x128xi32, #tpu.memory_space<hbm>> -> memref<128xi32, #tpu.memory_space<hbm>>
      tpu.enqueue_dma source(%dma_start3A_83 : memref<128xi32, #tpu.memory_space<hbm>>) target(%arg7 : memref<128xi32, #tpu.memory_space<vmem>>) target_semaphore(%arg16 : memref<!tpu.dma_semaphore, #tpu.memory_space<semaphore_mem>>)
      %dma_wait3A_84 = arith.constant 0 : i32
      %dma_wait3A_85 = arith.constant 0 : i32
      %dma_wait3A_86 = tpu.memref_slice %arg2[%dma_wait3A_84, %dma_wait3A_85] : memref<10000x128xf32, #tpu.memory_space<hbm>> -> memref<128x128xf32, #tpu.memory_space<hbm>>
      %dma_wait3A_87 = arith.constant 0 : i32
      %dma_wait3A_88 = arith.constant 0 : i32
      %dma_wait3A_89 = tpu.memref_slice %arg2[%dma_wait3A_87, %dma_wait3A_88] : memref<10000x128xf32, #tpu.memory_space<hbm>> -> memref<128x128xf32, #tpu.memory_space<hbm>>
      tpu.wait_dma2 semaphore(%arg13 : memref<!tpu.dma_semaphore, #tpu.memory_space<semaphore_mem>>) src(%dma_wait3A_89 : memref<128x128xf32, #tpu.memory_space<hbm>>) dst(%arg9 : memref<128x128xf32, #tpu.memory_space<vmem>>)
      %dma_wait3A_90 = arith.constant 1 : i32
      %dma_wait3A_91 = arith.constant 0 : i32
      %dma_wait3A_92 = tpu.memref_slice %arg3[%dma_wait3A_90, %dma_wait3A_91] : memref<2x320000xi32, #tpu.memory_space<hbm>> -> memref<1x128xi32, #tpu.memory_space<hbm>>
      %dma_wait3A_93 = tpu.memref_squeeze %dma_wait3A_92 : memref<1x128xi32, #tpu.memory_space<hbm>> -> memref<128xi32, #tpu.memory_space<hbm>>
      %dma_wait3A_94 = arith.constant 0 : i32
      %dma_wait3A_95 = tpu.memref_slice %arg3[%dma_wait3A_90, %dma_wait3A_94] : memref<2x320000xi32, #tpu.memory_space<hbm>> -> memref<1x128xi32, #tpu.memory_space<hbm>>
      %dma_wait3A_96 = tpu.memref_squeeze %dma_wait3A_95 : memref<1x128xi32, #tpu.memory_space<hbm>> -> memref<128xi32, #tpu.memory_space<hbm>>
      tpu.wait_dma2 semaphore(%arg15 : memref<!tpu.dma_semaphore, #tpu.memory_space<semaphore_mem>>) src(%dma_wait3A_96 : memref<128xi32, #tpu.memory_space<hbm>>) dst(%arg6 : memref<128xi32, #tpu.memory_space<vmem>>)
      "tpu.region"() ({
        %run_scoped3A_114 = tpu.sem_alloc : memref<!tpu.dma_semaphore, #tpu.memory_space<semaphore_mem>>
        %dma_start3A_115 = arith.constant 0 : i32
        %dma_start3A_116 = arith.constant 0 : i32
        %dma_start3A_117 = tpu.memref_slice %arg12[%dma_start3A_115, %dma_start3A_116] : memref<10000x128xf32, #tpu.memory_space<vmem_shared>> -> memref<10000x128xf32, #tpu.memory_space<vmem_shared>>
        tpu.enqueue_indirect_dma source(%arg9 : memref<128x128xf32, #tpu.memory_space<vmem>>) target(%dma_start3A_117 : memref<10000x128xf32, #tpu.memory_space<vmem_shared>>) offsets(%arg6 : memref<128xi32, #tpu.memory_space<vmem>>) semaphore(%run_scoped3A_114 : memref<!tpu.dma_semaphore, #tpu.memory_space<semaphore_mem>>) {add = true}
        %dma_wait3A_118 = arith.constant 0 : i32
        %dma_wait3A_119 = arith.constant 0 : i32
        %dma_wait3A_120 = tpu.memref_slice %arg12[%dma_wait3A_118, %dma_wait3A_119] : memref<10000x128xf32, #tpu.memory_space<vmem_shared>> -> memref<10000x128xf32, #tpu.memory_space<vmem_shared>>
        tpu.wait_indirect_dma semaphore(%run_scoped3A_114 : memref<!tpu.dma_semaphore, #tpu.memory_space<semaphore_mem>>) src(%arg9 : memref<128x128xf32, #tpu.memory_space<vmem>>) dst(%dma_wait3A_120 : memref<10000x128xf32, #tpu.memory_space<vmem_shared>>)
        tpu.yield
      }) : () -> ()
      %add3A_97 = arith.constant 2 : i32
      %add3A_98 = arith.addi %mul3A_68, %add3A_97 : i32
      %lt3A = arith.constant 78 : i32
      %lt3A_99 = arith.cmpi slt, %add3A_98, %lt3A : i32
      %convert_element_type3A = arith.extui %lt3A_99 : i1 to i32
      %cond3A = arith.constant 0 : i32
      %cond3A_100 = arith.cmpi ne, %convert_element_type3A, %cond3A : i32
      scf.if %cond3A_100 {
        %add3A_114 = arith.constant 2 : i32
        %add3A_115 = arith.addi %mul3A_68, %add3A_114 : i32
        %mul3A_116 = arith.constant 128 : i32
        %mul3A_117 = arith.muli %add3A_115, %mul3A_116 : i32
        %multiple_of3A_118 = tpu.assume_multiple %mul3A_117, 8 : i32
        %dma_start3A_119 = tpu.memref_slice %arg5[%multiple_of3A_118] : memref<10000xi32, #tpu.memory_space<vmem>> -> memref<128xi32, #tpu.memory_space<vmem>>
        %dma_start3A_120 = arith.constant 0 : i32
        %dma_start3A_121 = arith.constant 0 : i32
        %dma_start3A_122 = tpu.memref_slice %arg2[%dma_start3A_120, %dma_start3A_121] : memref<10000x128xf32, #tpu.memory_space<hbm>> -> memref<10000x128xf32, #tpu.memory_space<hbm>>
        tpu.enqueue_indirect_dma source(%dma_start3A_122 : memref<10000x128xf32, #tpu.memory_space<hbm>>) target(%arg9 : memref<128x128xf32, #tpu.memory_space<vmem>>) offsets(%dma_start3A_119 : memref<128xi32, #tpu.memory_space<vmem>>) semaphore(%arg13 : memref<!tpu.dma_semaphore, #tpu.memory_space<semaphore_mem>>)
        %add3A_123 = arith.addi %mul3A_3, %multiple_of3A_118 : i32
        %dma_start3A_124 = arith.constant 1 : i32
        %dma_start3A_125 = tpu.memref_slice %arg3[%dma_start3A_124, %add3A_123] : memref<2x320000xi32, #tpu.memory_space<hbm>> -> memref<1x128xi32, #tpu.memory_space<hbm>>
        %dma_start3A_126 = tpu.memref_squeeze %dma_start3A_125 : memref<1x128xi32, #tpu.memory_space<hbm>> -> memref<128xi32, #tpu.memory_space<hbm>>
        %dma_start3A_127 = tpu.memref_slice %arg3[%dma_start3A_124, %add3A_123] : memref<2x320000xi32, #tpu.memory_space<hbm>> -> memref<1x128xi32, #tpu.memory_space<hbm>>
        %dma_start3A_128 = tpu.memref_squeeze %dma_start3A_127 : memref<1x128xi32, #tpu.memory_space<hbm>> -> memref<128xi32, #tpu.memory_space<hbm>>
        tpu.enqueue_dma source(%dma_start3A_128 : memref<128xi32, #tpu.memory_space<hbm>>) target(%arg6 : memref<128xi32, #tpu.memory_space<vmem>>) target_semaphore(%arg15 : memref<!tpu.dma_semaphore, #tpu.memory_space<semaphore_mem>>)
      } else {
      }
      %dma_wait3A_101 = arith.constant 0 : i32
      %dma_wait3A_102 = arith.constant 0 : i32
      %dma_wait3A_103 = tpu.memref_slice %arg2[%dma_wait3A_101, %dma_wait3A_102] : memref<10000x128xf32, #tpu.memory_space<hbm>> -> memref<128x128xf32, #tpu.memory_space<hbm>>
      %dma_wait3A_104 = arith.constant 0 : i32
      %dma_wait3A_105 = arith.constant 0 : i32
      %dma_wait3A_106 = tpu.memref_slice %arg2[%dma_wait3A_104, %dma_wait3A_105] : memref<10000x128xf32, #tpu.memory_space<hbm>> -> memref<128x128xf32, #tpu.memory_space<hbm>>
      tpu.wait_dma2 semaphore(%arg14 : memref<!tpu.dma_semaphore, #tpu.memory_space<semaphore_mem>>) src(%dma_wait3A_106 : memref<128x128xf32, #tpu.memory_space<hbm>>) dst(%arg10 : memref<128x128xf32, #tpu.memory_space<vmem>>)
      %dma_wait3A_107 = arith.constant 1 : i32
      %dma_wait3A_108 = arith.constant 0 : i32
      %dma_wait3A_109 = tpu.memref_slice %arg3[%dma_wait3A_107, %dma_wait3A_108] : memref<2x320000xi32, #tpu.memory_space<hbm>> -> memref<1x128xi32, #tpu.memory_space<hbm>>
      %dma_wait3A_110 = tpu.memref_squeeze %dma_wait3A_109 : memref<1x128xi32, #tpu.memory_space<hbm>> -> memref<128xi32, #tpu.memory_space<hbm>>
      %dma_wait3A_111 = arith.constant 0 : i32
      %dma_wait3A_112 = tpu.memref_slice %arg3[%dma_wait3A_107, %dma_wait3A_111] : memref<2x320000xi32, #tpu.memory_space<hbm>> -> memref<1x128xi32, #tpu.memory_space<hbm>>
      %dma_wait3A_113 = tpu.memref_squeeze %dma_wait3A_112 : memref<1x128xi32, #tpu.memory_space<hbm>> -> memref<128xi32, #tpu.memory_space<hbm>>
      tpu.wait_dma2 semaphore(%arg16 : memref<!tpu.dma_semaphore, #tpu.memory_space<semaphore_mem>>) src(%dma_wait3A_113 : memref<128xi32, #tpu.memory_space<hbm>>) dst(%arg7 : memref<128xi32, #tpu.memory_space<vmem>>)
      "tpu.region"() ({
        %run_scoped3A_114 = tpu.sem_alloc : memref<!tpu.dma_semaphore, #tpu.memory_space<semaphore_mem>>
        %dma_start3A_115 = arith.constant 0 : i32
        %dma_start3A_116 = arith.constant 0 : i32
        %dma_start3A_117 = tpu.memref_slice %arg12[%dma_start3A_115, %dma_start3A_116] : memref<10000x128xf32, #tpu.memory_space<vmem_shared>> -> memref<10000x128xf32, #tpu.memory_space<vmem_shared>>
        tpu.enqueue_indirect_dma source(%arg10 : memref<128x128xf32, #tpu.memory_space<vmem>>) target(%dma_start3A_117 : memref<10000x128xf32, #tpu.memory_space<vmem_shared>>) offsets(%arg7 : memref<128xi32, #tpu.memory_space<vmem>>) semaphore(%run_scoped3A_114 : memref<!tpu.dma_semaphore, #tpu.memory_space<semaphore_mem>>) {add = true}
        %dma_wait3A_118 = arith.constant 0 : i32
        %dma_wait3A_119 = arith.constant 0 : i32
        %dma_wait3A_120 = tpu.memref_slice %arg12[%dma_wait3A_118, %dma_wait3A_119] : memref<10000x128xf32, #tpu.memory_space<vmem_shared>> -> memref<10000x128xf32, #tpu.memory_space<vmem_shared>>
        tpu.wait_indirect_dma semaphore(%run_scoped3A_114 : memref<!tpu.dma_semaphore, #tpu.memory_space<semaphore_mem>>) src(%arg10 : memref<128x128xf32, #tpu.memory_space<vmem>>) dst(%dma_wait3A_120 : memref<10000x128xf32, #tpu.memory_space<vmem_shared>>)
        tpu.yield
      }) : () -> ()
    }
    %scan3A_38 = arith.constant 39 : i32
    %dma_start3A_39 = arith.constant 0 : i32
    %dma_start3A_40 = arith.constant 0 : i32
    %dma_start3A_41 = tpu.memref_slice %arg9[%dma_start3A_39, %dma_start3A_40] : memref<128x128xf32, #tpu.memory_space<vmem>> -> memref<16x128xf32, #tpu.memory_space<vmem>>
    %dma_start3A_42 = arith.constant 9984 : i32
    %dma_start3A_43 = tpu.memref_slice %arg5[%dma_start3A_42] : memref<10000xi32, #tpu.memory_space<vmem>> -> memref<16xi32, #tpu.memory_space<vmem>>
    %dma_start3A_44 = arith.constant 0 : i32
    %dma_start3A_45 = arith.constant 0 : i32
    %dma_start3A_46 = tpu.memref_slice %arg2[%dma_start3A_44, %dma_start3A_45] : memref<10000x128xf32, #tpu.memory_space<hbm>> -> memref<10000x128xf32, #tpu.memory_space<hbm>>
    tpu.enqueue_indirect_dma source(%dma_start3A_46 : memref<10000x128xf32, #tpu.memory_space<hbm>>) target(%dma_start3A_41 : memref<16x128xf32, #tpu.memory_space<vmem>>) offsets(%dma_start3A_43 : memref<16xi32, #tpu.memory_space<vmem>>) semaphore(%arg13 : memref<!tpu.dma_semaphore, #tpu.memory_space<semaphore_mem>>)
    %add3A_47 = arith.constant 9984 : i32
    %add3A_48 = arith.addi %mul3A_3, %add3A_47 : i32
    %run_scoped3A = arith.constant 1 : i32
    "tpu.region"() ({
      %run_scoped3A_62 = tpu.sem_alloc : memref<!tpu.dma_semaphore, #tpu.memory_space<semaphore_mem>>
      %dma_start3A_63 = tpu.memref_slice %arg3[%run_scoped3A, %add3A_48] : memref<2x320000xi32, #tpu.memory_space<hbm>> -> memref<1x16xi32, #tpu.memory_space<hbm>>
      %dma_start3A_64 = tpu.memref_squeeze %dma_start3A_63 : memref<1x16xi32, #tpu.memory_space<hbm>> -> memref<16xi32, #tpu.memory_space<hbm>>
      %dma_start3A_65 = tpu.memref_slice %arg3[%run_scoped3A, %add3A_48] : memref<2x320000xi32, #tpu.memory_space<hbm>> -> memref<1x16xi32, #tpu.memory_space<hbm>>
      %dma_start3A_66 = tpu.memref_squeeze %dma_start3A_65 : memref<1x16xi32, #tpu.memory_space<hbm>> -> memref<16xi32, #tpu.memory_space<hbm>>
      tpu.enqueue_dma source(%dma_start3A_66 : memref<16xi32, #tpu.memory_space<hbm>>) target(%arg8 : memref<16xi32, #tpu.memory_space<vmem>>) target_semaphore(%run_scoped3A_62 : memref<!tpu.dma_semaphore, #tpu.memory_space<semaphore_mem>>)
      %dma_wait3A_67 = tpu.memref_slice %arg3[%run_scoped3A, %add3A_48] : memref<2x320000xi32, #tpu.memory_space<hbm>> -> memref<1x16xi32, #tpu.memory_space<hbm>>
      %dma_wait3A_68 = tpu.memref_squeeze %dma_wait3A_67 : memref<1x16xi32, #tpu.memory_space<hbm>> -> memref<16xi32, #tpu.memory_space<hbm>>
      %dma_wait3A_69 = tpu.memref_slice %arg3[%run_scoped3A, %add3A_48] : memref<2x320000xi32, #tpu.memory_space<hbm>> -> memref<1x16xi32, #tpu.memory_space<hbm>>
      %dma_wait3A_70 = tpu.memref_squeeze %dma_wait3A_69 : memref<1x16xi32, #tpu.memory_space<hbm>> -> memref<16xi32, #tpu.memory_space<hbm>>
      tpu.wait_dma2 semaphore(%run_scoped3A_62 : memref<!tpu.dma_semaphore, #tpu.memory_space<semaphore_mem>>) src(%dma_wait3A_70 : memref<16xi32, #tpu.memory_space<hbm>>) dst(%arg8 : memref<16xi32, #tpu.memory_space<vmem>>)
      tpu.yield
    }) : () -> ()
    %dma_wait3A_49 = arith.constant 0 : i32
    %dma_wait3A_50 = arith.constant 0 : i32
    %dma_wait3A_51 = tpu.memref_slice %arg9[%dma_wait3A_49, %dma_wait3A_50] : memref<128x128xf32, #tpu.memory_space<vmem>> -> memref<16x128xf32, #tpu.memory_space<vmem>>
    %dma_wait3A_52 = arith.constant 0 : i32
    %dma_wait3A_53 = arith.constant 0 : i32
    %dma_wait3A_54 = tpu.memref_slice %arg2[%dma_wait3A_52, %dma_wait3A_53] : memref<10000x128xf32, #tpu.memory_space<hbm>> -> memref<16x128xf32, #tpu.memory_space<hbm>>
    %dma_wait3A_55 = arith.constant 0 : i32
    %dma_wait3A_56 = arith.constant 0 : i32
    %dma_wait3A_57 = tpu.memref_slice %arg9[%dma_wait3A_55, %dma_wait3A_56] : memref<128x128xf32, #tpu.memory_space<vmem>> -> memref<16x128xf32, #tpu.memory_space<vmem>>
    %dma_wait3A_58 = arith.constant 0 : i32
    %dma_wait3A_59 = arith.constant 0 : i32
    %dma_wait3A_60 = tpu.memref_slice %arg2[%dma_wait3A_58, %dma_wait3A_59] : memref<10000x128xf32, #tpu.memory_space<hbm>> -> memref<16x128xf32, #tpu.memory_space<hbm>>
    tpu.wait_dma2 semaphore(%arg13 : memref<!tpu.dma_semaphore, #tpu.memory_space<semaphore_mem>>) src(%dma_wait3A_60 : memref<16x128xf32, #tpu.memory_space<hbm>>) dst(%dma_wait3A_57 : memref<16x128xf32, #tpu.memory_space<vmem>>)
    "tpu.region"() ({
      %run_scoped3A_62 = tpu.sem_alloc : memref<!tpu.dma_semaphore, #tpu.memory_space<semaphore_mem>>
      %dma_start3A_63 = arith.constant 0 : i32
      %dma_start3A_64 = arith.constant 0 : i32
      %dma_start3A_65 = tpu.memref_slice %arg9[%dma_start3A_63, %dma_start3A_64] : memref<128x128xf32, #tpu.memory_space<vmem>> -> memref<16x128xf32, #tpu.memory_space<vmem>>
      %dma_start3A_66 = arith.constant 0 : i32
      %dma_start3A_67 = arith.constant 0 : i32
      %dma_start3A_68 = tpu.memref_slice %arg12[%dma_start3A_66, %dma_start3A_67] : memref<10000x128xf32, #tpu.memory_space<vmem_shared>> -> memref<10000x128xf32, #tpu.memory_space<vmem_shared>>
      tpu.enqueue_indirect_dma source(%dma_start3A_65 : memref<16x128xf32, #tpu.memory_space<vmem>>) target(%dma_start3A_68 : memref<10000x128xf32, #tpu.memory_space<vmem_shared>>) offsets(%arg8 : memref<16xi32, #tpu.memory_space<vmem>>) semaphore(%run_scoped3A_62 : memref<!tpu.dma_semaphore, #tpu.memory_space<semaphore_mem>>) {add = true}
      %dma_wait3A_69 = arith.constant 0 : i32
      %dma_wait3A_70 = arith.constant 0 : i32
      %dma_wait3A_71 = tpu.memref_slice %arg9[%dma_wait3A_69, %dma_wait3A_70] : memref<128x128xf32, #tpu.memory_space<vmem>> -> memref<16x128xf32, #tpu.memory_space<vmem>>
      %dma_wait3A_72 = arith.constant 0 : i32
      %dma_wait3A_73 = arith.constant 0 : i32
      %dma_wait3A_74 = tpu.memref_slice %arg12[%dma_wait3A_72, %dma_wait3A_73] : memref<10000x128xf32, #tpu.memory_space<vmem_shared>> -> memref<10000x128xf32, #tpu.memory_space<vmem_shared>>
      tpu.wait_indirect_dma semaphore(%run_scoped3A_62 : memref<!tpu.dma_semaphore, #tpu.memory_space<semaphore_mem>>) src(%dma_wait3A_71 : memref<16x128xf32, #tpu.memory_space<vmem>>) dst(%dma_wait3A_74 : memref<10000x128xf32, #tpu.memory_space<vmem_shared>>)
      tpu.yield
    }) : () -> ()
    %barrier3A_61 = arith.constant 0 : index
    tpu.barrier barrier_id(%barrier3A_61)
    "tpu.region"() ({
      %run_scoped3A_62 = tpu.sem_alloc : memref<!tpu.dma_semaphore, #tpu.memory_space<semaphore_mem>>
      %dma_start3A_63 = arith.constant 0 : i32
      %dma_start3A_64 = tpu.memref_slice %arg4[%arg0, %mul3A_13, %dma_start3A_63] : memref<2x10000x128xf32, #tpu.memory_space<hbm>> -> memref<1x625x128xf32, #tpu.memory_space<hbm>>
      %dma_start3A_65 = tpu.memref_squeeze %dma_start3A_64 : memref<1x625x128xf32, #tpu.memory_space<hbm>> -> memref<625x128xf32, #tpu.memory_space<hbm>>
      %dma_start3A_66 = arith.constant 0 : i32
      %dma_start3A_67 = tpu.memref_slice %arg12[%mul3A_13, %dma_start3A_66] : memref<10000x128xf32, #tpu.memory_space<vmem_shared>> -> memref<625x128xf32, #tpu.memory_space<vmem_shared>>
      tpu.enqueue_dma source(%dma_start3A_67 : memref<625x128xf32, #tpu.memory_space<vmem_shared>>) target(%dma_start3A_65 : memref<625x128xf32, #tpu.memory_space<hbm>>) target_semaphore(%run_scoped3A_62 : memref<!tpu.dma_semaphore, #tpu.memory_space<semaphore_mem>>)
      %dma_wait3A_68 = arith.constant 0 : i32
      %dma_wait3A_69 = tpu.memref_slice %arg4[%arg0, %mul3A_13, %dma_wait3A_68] : memref<2x10000x128xf32, #tpu.memory_space<hbm>> -> memref<1x625x128xf32, #tpu.memory_space<hbm>>
      %dma_wait3A_70 = tpu.memref_squeeze %dma_wait3A_69 : memref<1x625x128xf32, #tpu.memory_space<hbm>> -> memref<625x128xf32, #tpu.memory_space<hbm>>
      %dma_wait3A_71 = arith.constant 0 : i32
      %dma_wait3A_72 = tpu.memref_slice %arg12[%mul3A_13, %dma_wait3A_71] : memref<10000x128xf32, #tpu.memory_space<vmem_shared>> -> memref<625x128xf32, #tpu.memory_space<vmem_shared>>
      tpu.wait_dma2 semaphore(%run_scoped3A_62 : memref<!tpu.dma_semaphore, #tpu.memory_space<semaphore_mem>>) src(%dma_wait3A_72 : memref<625x128xf32, #tpu.memory_space<vmem_shared>>) dst(%dma_wait3A_70 : memref<625x128xf32, #tpu.memory_space<hbm>>)
      tpu.yield
    }) : () -> ()
    return
  }
}

module attributes {stable_mosaic.version = 14 : i64} {
  func.func @_transform_body(%arg0: i32, %arg1: memref<2000x32xf32, #tpu.memory_space<vmem>>, %arg2: memref<2000x128xf32, #tpu.memory_space<vmem>>, %arg3: memref<4x32x32xf32, #tpu.memory_space<vmem>>, %arg4: memref<2000x128xf32, #tpu.memory_space<vmem>>) attributes {dimension_semantics = [#tpu.dimension_semantics<arbitrary>], iteration_bounds = array<i64: 5>, scalar_prefetch = 0 : i64, scratch_operands = 0 : i64, tpu.core_type = #tpu.core_type<tc>, window_params = [{transform_indices = @transform_0, window_bounds = array<i64: 2000, 32>}, {transform_indices = @transform_1, window_bounds = array<i64: 2000, 128>}, {pipeline_mode = #tpu.pipeline_mode<synchronous>, transform_indices = @transform_2, window_bounds = array<i64: 4, 32, 32>}, {transform_indices = @transform_3, window_bounds = array<i64: 2000, 128>}]} {
    %get3A = arith.constant 0 : index
    %get3A_0 = arith.constant 0 : index
    %get3A_1 = vector.load %arg1[%get3A, %get3A_0] : memref<2000x32xf32, #tpu.memory_space<vmem>>, vector<2000x32xf32>
    %reduce_sum3A = arith.constant dense<0.000000e+00> : vector<2000xf32>
    %reduce_sum3A_2 = vector.multi_reduction <add>, %get3A_1, %reduce_sum3A [1] : vector<2000x32xf32> to vector<2000xf32>
    %broadcast_in_dim3A = vector.shape_cast %reduce_sum3A_2 : vector<2000xf32> to vector<2000x1xf32>
    %max3A = arith.constant 1.000000e+00 : f32
    %max3A_3 = vector.broadcast %max3A : f32 to vector<2000x1xf32>
    %max3A_4 = arith.maximumf %broadcast_in_dim3A, %max3A_3 : vector<2000x1xf32>
    %rsqrt3A = math.rsqrt %max3A_4 : vector<2000x1xf32>
    %get3A_5 = arith.constant 0 : index
    %get3A_6 = arith.constant 0 : index
    %get3A_7 = vector.load %arg2[%get3A_5, %get3A_6] : memref<2000x128xf32, #tpu.memory_space<vmem>>, vector<2000x128xf32>
    %mul3A = vector.broadcast %rsqrt3A : vector<2000x1xf32> to vector<2000x128xf32>
    %mul3A_8 = arith.mulf %get3A_7, %mul3A : vector<2000x128xf32>
    %get3A_9 = arith.constant 0 : index
    %get3A_10 = arith.constant 0 : index
    %get3A_11 = arith.constant 0 : index
    %get3A_12 = vector.load %arg3[%get3A_9, %get3A_10, %get3A_11] : memref<4x32x32xf32, #tpu.memory_space<vmem>>, vector<4x32x32xf32>
    %slice3A = vector.extract_strided_slice %mul3A_8 {offsets = [0, 0], sizes = [2000, 32], strides = [1, 1]} : vector<2000x128xf32> to vector<2000x32xf32>
    %slice3A_13 = vector.extract_strided_slice %get3A_12 {offsets = [0, 0, 0], sizes = [1, 32, 32], strides = [1, 1, 1]} : vector<4x32x32xf32> to vector<1x32x32xf32>
    %squeeze3A = vector.shape_cast %slice3A_13 : vector<1x32x32xf32> to vector<32x32xf32>
    %dot_general3A = arith.constant dense<0.000000e+00> : vector<2000x32xf32>
    %dot_general3A_14 = tpu.matmul %slice3A, %squeeze3A, %dot_general3A {dimension_numbers = #tpu.dot_dimension_numbers<[1], [0], [0], [1], [0, 0, 1, 1], [], []>, precision = #tpu.contract_precision<fp32>, transpose_lhs_hint = false} : vector<2000x32xf32>, vector<32x32xf32>, vector<2000x32xf32> -> vector<2000x32xf32>
    %slice3A_15 = vector.extract_strided_slice %mul3A_8 {offsets = [0, 32], sizes = [2000, 32], strides = [1, 1]} : vector<2000x128xf32> to vector<2000x32xf32>
    %slice3A_16 = vector.extract_strided_slice %get3A_12 {offsets = [1, 0, 0], sizes = [1, 32, 32], strides = [1, 1, 1]} : vector<4x32x32xf32> to vector<1x32x32xf32>
    %squeeze3A_17 = vector.shape_cast %slice3A_16 : vector<1x32x32xf32> to vector<32x32xf32>
    %dot_general3A_18 = arith.constant dense<0.000000e+00> : vector<2000x32xf32>
    %dot_general3A_19 = tpu.matmul %slice3A_15, %squeeze3A_17, %dot_general3A_18 {dimension_numbers = #tpu.dot_dimension_numbers<[1], [0], [0], [1], [0, 0, 1, 1], [], []>, precision = #tpu.contract_precision<fp32>, transpose_lhs_hint = false} : vector<2000x32xf32>, vector<32x32xf32>, vector<2000x32xf32> -> vector<2000x32xf32>
    %slice3A_20 = vector.extract_strided_slice %mul3A_8 {offsets = [0, 64], sizes = [2000, 32], strides = [1, 1]} : vector<2000x128xf32> to vector<2000x32xf32>
    %slice3A_21 = vector.extract_strided_slice %get3A_12 {offsets = [2, 0, 0], sizes = [1, 32, 32], strides = [1, 1, 1]} : vector<4x32x32xf32> to vector<1x32x32xf32>
    %squeeze3A_22 = vector.shape_cast %slice3A_21 : vector<1x32x32xf32> to vector<32x32xf32>
    %dot_general3A_23 = arith.constant dense<0.000000e+00> : vector<2000x32xf32>
    %dot_general3A_24 = tpu.matmul %slice3A_20, %squeeze3A_22, %dot_general3A_23 {dimension_numbers = #tpu.dot_dimension_numbers<[1], [0], [0], [1], [0, 0, 1, 1], [], []>, precision = #tpu.contract_precision<fp32>, transpose_lhs_hint = false} : vector<2000x32xf32>, vector<32x32xf32>, vector<2000x32xf32> -> vector<2000x32xf32>
    %slice3A_25 = vector.extract_strided_slice %mul3A_8 {offsets = [0, 96], sizes = [2000, 32], strides = [1, 1]} : vector<2000x128xf32> to vector<2000x32xf32>
    %slice3A_26 = vector.extract_strided_slice %get3A_12 {offsets = [3, 0, 0], sizes = [1, 32, 32], strides = [1, 1, 1]} : vector<4x32x32xf32> to vector<1x32x32xf32>
    %squeeze3A_27 = vector.shape_cast %slice3A_26 : vector<1x32x32xf32> to vector<32x32xf32>
    %dot_general3A_28 = arith.constant dense<0.000000e+00> : vector<2000x32xf32>
    %dot_general3A_29 = tpu.matmul %slice3A_25, %squeeze3A_27, %dot_general3A_28 {dimension_numbers = #tpu.dot_dimension_numbers<[1], [0], [0], [1], [0, 0, 1, 1], [], []>, precision = #tpu.contract_precision<fp32>, transpose_lhs_hint = false} : vector<2000x32xf32>, vector<32x32xf32>, vector<2000x32xf32> -> vector<2000x32xf32>
    %concatenate3A = tpu.concatenate %dot_general3A_14, %dot_general3A_19, %dot_general3A_24, %dot_general3A_29 in 1 : vector<2000x32xf32>, vector<2000x32xf32>, vector<2000x32xf32>, vector<2000x32xf32> -> vector<2000x128xf32>
    %swap3A = arith.constant 0 : index
    %swap3A_30 = arith.constant 0 : index
    %swap3A_31 = vector.load %arg4[%swap3A, %swap3A_30] : memref<2000x128xf32, #tpu.memory_space<vmem>>, vector<2000x128xf32>
    tpu.vector_store %arg4[%swap3A, %swap3A_30], %concatenate3A {strides = array<i32>} : memref<2000x128xf32, #tpu.memory_space<vmem>>, vector<2000x128xf32>,
    return
  }
  func.func @transform_0(%arg0: i32) -> (i32, i32) {
    %c0_i32 = arith.constant 0 : i32
    %c0_i32_0 = arith.constant 0 : i32
    return %arg0, %c0_i32 : i32, i32
  }
  func.func @transform_1(%arg0: i32) -> (i32, i32) {
    %c0_i32 = arith.constant 0 : i32
    %c0_i32_0 = arith.constant 0 : i32
    return %arg0, %c0_i32 : i32, i32
  }
  func.func @transform_2(%arg0: i32) -> (i32, i32, i32) {
    %c0_i32 = arith.constant 0 : i32
    %c0_i32_0 = arith.constant 0 : i32
    %c0_i32_1 = arith.constant 0 : i32
    %c0_i32_2 = arith.constant 0 : i32
    return %c0_i32, %c0_i32_0, %c0_i32_1 : i32, i32, i32
  }
  func.func @transform_3(%arg0: i32) -> (i32, i32) {
    %c0_i32 = arith.constant 0 : i32
    %c0_i32_0 = arith.constant 0 : i32
    return %arg0, %c0_i32 : i32, i32
  }
}

module attributes {stable_mosaic.version = 14 : i64} {
  func.func @_finish_body(%arg0: i32, %arg1: memref<2x2000x128xf32, #tpu.memory_space<vmem>>, %arg2: memref<2000x32xf32, #tpu.memory_space<vmem>>, %arg3: memref<1x128xf32, #tpu.memory_space<vmem>>, %arg4: memref<2000x128xf32, #tpu.memory_space<vmem>>) attributes {dimension_semantics = [#tpu.dimension_semantics<arbitrary>], iteration_bounds = array<i64: 5>, scalar_prefetch = 0 : i64, scratch_operands = 0 : i64, tpu.core_type = #tpu.core_type<tc>, window_params = [{transform_indices = @transform_0, window_bounds = array<i64: 2, 2000, 128>}, {transform_indices = @transform_1, window_bounds = array<i64: 2000, 32>}, {pipeline_mode = #tpu.pipeline_mode<synchronous>, transform_indices = @transform_2, window_bounds = array<i64: 1, 128>}, {transform_indices = @transform_3, window_bounds = array<i64: 2000, 128>}]} {
    %get3A = arith.constant 0 : index
    %get3A_0 = arith.constant 0 : index
    %get3A_1 = arith.constant 0 : index
    %get3A_2 = vector.load %arg1[%get3A, %get3A_0, %get3A_1] : memref<2x2000x128xf32, #tpu.memory_space<vmem>>, vector<1x2000x128xf32>
    %get3A_3 = vector.shape_cast %get3A_2 : vector<1x2000x128xf32> to vector<2000x128xf32>
    %get3A_4 = arith.constant 1 : index
    %get3A_5 = arith.constant 0 : index
    %get3A_6 = arith.constant 0 : index
    %get3A_7 = vector.load %arg1[%get3A_4, %get3A_5, %get3A_6] : memref<2x2000x128xf32, #tpu.memory_space<vmem>>, vector<1x2000x128xf32>
    %get3A_8 = vector.shape_cast %get3A_7 : vector<1x2000x128xf32> to vector<2000x128xf32>
    %add3A = arith.addf %get3A_3, %get3A_8 : vector<2000x128xf32>
    %get3A_9 = arith.constant 0 : index
    %get3A_10 = arith.constant 0 : index
    %get3A_11 = vector.load %arg2[%get3A_9, %get3A_10] : memref<2000x32xf32, #tpu.memory_space<vmem>>, vector<2000x32xf32>
    %reduce_sum3A = arith.constant dense<0.000000e+00> : vector<2000xf32>
    %reduce_sum3A_12 = vector.multi_reduction <add>, %get3A_11, %reduce_sum3A [1] : vector<2000x32xf32> to vector<2000xf32>
    %broadcast_in_dim3A = vector.shape_cast %reduce_sum3A_12 : vector<2000xf32> to vector<2000x1xf32>
    %max3A = arith.constant 1.000000e+00 : f32
    %max3A_13 = vector.broadcast %max3A : f32 to vector<2000x1xf32>
    %max3A_14 = arith.maximumf %broadcast_in_dim3A, %max3A_13 : vector<2000x1xf32>
    %rsqrt3A = math.rsqrt %max3A_14 : vector<2000x1xf32>
    %mul3A = vector.broadcast %rsqrt3A : vector<2000x1xf32> to vector<2000x128xf32>
    %mul3A_15 = arith.mulf %add3A, %mul3A : vector<2000x128xf32>
    %get3A_16 = arith.constant 0 : index
    %get3A_17 = arith.constant 0 : index
    %get3A_18 = vector.load %arg3[%get3A_16, %get3A_17] : memref<1x128xf32, #tpu.memory_space<vmem>>, vector<1x128xf32>
    %add3A_19 = vector.broadcast %get3A_18 : vector<1x128xf32> to vector<2000x128xf32>
    %add3A_20 = arith.addf %mul3A_15, %add3A_19 : vector<2000x128xf32>
    %swap3A = arith.constant 0 : index
    %swap3A_21 = arith.constant 0 : index
    %swap3A_22 = vector.load %arg4[%swap3A, %swap3A_21] : memref<2000x128xf32, #tpu.memory_space<vmem>>, vector<2000x128xf32>
    tpu.vector_store %arg4[%swap3A, %swap3A_21], %add3A_20 {strides = array<i32>} : memref<2000x128xf32, #tpu.memory_space<vmem>>, vector<2000x128xf32>,
    return
  }
  func.func @transform_0(%arg0: i32) -> (i32, i32, i32) {
    %c0_i32 = arith.constant 0 : i32
    %c0_i32_0 = arith.constant 0 : i32
    %c0_i32_1 = arith.constant 0 : i32
    return %c0_i32, %arg0, %c0_i32_0 : i32, i32, i32
  }
  func.func @transform_1(%arg0: i32) -> (i32, i32) {
    %c0_i32 = arith.constant 0 : i32
    %c0_i32_0 = arith.constant 0 : i32
    return %arg0, %c0_i32 : i32, i32
  }
  func.func @transform_2(%arg0: i32) -> (i32, i32) {
    %c0_i32 = arith.constant 0 : i32
    %c0_i32_0 = arith.constant 0 : i32
    %c0_i32_1 = arith.constant 0 : i32
    return %c0_i32, %c0_i32_0 : i32, i32
  }
  func.func @transform_3(%arg0: i32) -> (i32, i32) {
    %c0_i32 = arith.constant 0 : i32
    %c0_i32_0 = arith.constant 0 : i32
    return %arg0, %c0_i32 : i32, i32
  }
}

</mosaic_0001>

<sc_bundles>
// kernel: kernel.6.cloned.1.call-start
scs
__scs_entry_jumppad:
0x0: {  	(pc) =	sbr.rel $0x88, $3  }
0x1: {  	(tag) =	ssettag $0x0;
	lr =	simm.s32 $0x1  }
0x2: {  	[smem:$0x3F9D] =	sst lr;
	_ =	strace $0xD0000000  }
0x3: {  	_ = 	snop  }
0x4: {  	_ = 	snop  }
0x5: {  	_ = 	snop  }
0x6: {  	_ = 	snop  }
0x7: {  	_ = 	snop  }
__scs_overlays_trampoline_lowered:
0x8: {  	[smem:$0x3FAC] =	sst s0  }
0x9: {  	[smem:$0x3FAD] =	sst s1  }
0xa: {  	[smem:$0x3FAE] =	sst s2  }
0xb: {  	[smem:$0x3FAF] =	sst s3  }
0xc: {  	[smem:$0x3FB0] =	sst s4  }
0xd: {  	[smem:$0x3FB1] =	sst s5  }
0xe: {  	[smem:$0x3FB2] =	sst s6  }
0xf: {  	[smem:$0x3FB3] =	sst s7  }
0x10: {  	[smem:$0x3FB4] =	sst s8  }
0x11: {  	[smem:$0x3FB5] =	sst s9;
	s0 =	simm.s32 @!p0 $0x0  }
0x12: {  	s1 =	sld [smem:$0x3F9B];
	s0 =	simm.s32 @p0 $0x1  }
0x13: {  	[smem:$0x3FB6] =	sst s0;
	s0 =	simm.s32 @!p1 $0x0  }
0x14: {  	s2 =	sld [smem:$0x3F9A];
	s0 =	simm.s32 @p1 $0x1  }
0x15: {  	[smem:$0x3FB7] =	sst s0;
	s0 =	simm.s32 @!p2 $0x0  }
0x16: {  	s3 =	sld [smem:$0x3FDB];
	s0 =	simm.s32 @p2 $0x1  }
0x17: {  	s4 =	simm.s32 $0x1BF5;
	[smem:$0x3FB9] =	sst s0  }
0x18: {  	s0 =	sld [smem:$0x3F9C];
	_ =	swait.ge [sflag:s4], $0x0  }
0x19: {  	s7 =	sld [smem:$0x3F9D]  }
0x1a: {  	s8 =	sadd.s32 $0xFFFFE003, lr  }
0x1b: {  	s9 =	sadd.s32 $0xFFFFFEF7, lr;
	s5 =	simm.s32 $0xFFFFFFFF;
	p2 =	slt.u32 s8, $0xFFFFF086  }
0x1c: {  	p1 =	slt.u32 s9, $0xF7A;
	s5 =	simm.s32 @!p2 $0x0  }
0x1d: {  	s5 =	simm.s32 @p1 $0x1;
	p0 =	seq.s32 s7, s2  }
0x1e: {  	s7 =	smul.u32 @!p0 $0xF7A, s2;
	p2 =	seq.s32 @!p0 s5, $0x0  }
0x1f: {  	s9 =	smul.u32 $0xF7A, s1;
	s8 =	simm.s32 @!p0 $0x1BF5;
	p2 =	por !p2, p0  }
0x20: {  	[sflag:s8] =	ssyncset.s32 @!p0 $0xFFFFF086;
	s6 =	sadd.s32 @!p0 s3, s7;
	s7 =	simm.s32 @!p0 $0x108  }
0x21: {  	s3 =	sadd.s32 s3, s9;
	s6 =	sadd.s32 @!p0 $0x88, s6;
	s7 =	simm.s32 @p2 $0x1082  }
0x22: {  	[simem:s7], [sflag:s8] =	dma.local @!p0 [hbm:s6], $0xF7A  }
0x23: {  	s9 =	sor.u32 $0xD0000000, s2;
	s6 =	simm.s32 $0x108;
	_ =	swait.ge @!p0 [sflag:s8], $0x0  }
0x24: {  	s3 =	sadd.s32 $0x88, s3;
	s6 =	simm.s32 @!p1 $0x1082;
	[sflag:s4] =	ssyncset.s32 $0xFFFFF086  }
0x25: {  	[simem:s6], [sflag:s4] =	dma.local [hbm:s3], $0xF7A  }
0x26: {  	[smem:$0x3F9D] =	sst s1;
	(tag) =	ssettag s2;
	_ =	strace s9  }
0x27: {  	s1 =	sld [smem:$0x3FAD]  }
0x28: {  	s2 =	sld [smem:$0x3FAE]  }
0x29: {  	s4 =	sld [smem:$0x3FB0]  }
0x2a: {  	p0 =	seq.s32 s5, $0x0;
	s5 =	sld [smem:$0x3FB1]  }
0x2b: {  	s6 =	sld [smem:$0x3FB2]  }
0x2c: {  	s7 =	sld [smem:$0x3FB3]  }
0x2d: {  	s3 =	simm.s32 $0x108;
	s8 =	sld [smem:$0x3FB4]  }
0x2e: {  	s3 =	simm.s32 @!p0 $0x1082;
	s9 =	sld [smem:$0x3FB5]  }
0x2f: {  	lr =	sadd.s32 s0, s3;
	s0 =	sld [smem:$0x3FAC]  }
0x30: {  	s3 =	sld [smem:$0x3FAF]  }
0x31: {  	[smem:$0x3FB8] =	sst s10  }
0x32: {  	s10 =	sld [smem:$0x3FB6];
	_ =	sdelay $0x3  }
0x33: {  	p0 =	seq.s32 s10, $0x1;
	s10 =	sld [smem:$0x3FB8];
	_ =	sdelay $0x3  }
0x34: {  	[smem:$0x3FB8] =	sst s10  }
0x35: {  	s10 =	sld [smem:$0x3FB7];
	_ =	sdelay $0x3  }
0x36: {  	p1 =	seq.s32 s10, $0x1;
	s10 =	sld [smem:$0x3FB8];
	_ =	sdelay $0x3  }
0x37: {  	[smem:$0x3FB8] =	sst s10  }
0x38: {  	s10 =	sld [smem:$0x3FB9]  }
0x39: {  	_ = 	snop;
	(pc) =	sbr.ind lr, $3  }
0x3a: {  	_ = 	snop  }
0x3b: {  	_ = 	snop  }
0x3c: {  	p2 =	seq.s32 s10, $0x1;
	s10 =	sld [smem:$0x3FB8]  }
0x3d: {  	_ =	shalt  }
0x3e: {  	_ =	shalt  }
0x3f: {  	_ =	shalt  }
0x40: {  	_ =	shalt  }
0x41: {  	_ =	shalt  }
0x42: {  	_ =	shalt  }
0x43: {  	_ =	shalt  }
0x44: {  	_ =	shalt  }
0x45: {  	_ =	shalt  }
0x46: {  	_ =	shalt  }
0x47: {  	_ =	shalt  }
0x48: {  	_ =	shalt  }
0x49: {  	_ =	shalt  }
0x4a: {  	_ =	shalt  }
0x4b: {  	_ =	shalt  }
0x4c: {  	_ =	shalt  }
0x4d: {  	_ =	shalt  }
0x4e: {  	_ =	shalt  }
0x4f: {  	_ =	shalt  }
0x50: {  	_ =	shalt  }
0x51: {  	_ =	shalt  }
0x52: {  	_ =	shalt  }
0x53: {  	_ =	shalt  }
0x54: {  	_ =	shalt  }
0x55: {  	_ =	shalt  }
0x56: {  	_ =	shalt  }
0x57: {  	_ =	shalt  }
0x58: {  	_ =	shalt  }
0x59: {  	_ =	shalt  }
0x5a: {  	_ =	shalt  }
0x5b: {  	_ =	shalt  }
0x5c: {  	_ =	shalt  }
0x5d: {  	_ =	shalt  }
0x5e: {  	_ =	shalt  }
0x5f: {  	_ =	shalt  }
0x60: {  	_ =	shalt  }
0x61: {  	_ =	shalt  }
0x62: {  	_ =	shalt  }
0x63: {  	_ =	shalt  }
0x64: {  	_ =	shalt  }
0x65: {  	_ =	shalt  }
0x66: {  	_ =	shalt  }
0x67: {  	_ =	shalt  }
0x68: {  	_ =	shalt  }
0x69: {  	_ =	shalt  }
0x6a: {  	_ =	shalt  }
0x6b: {  	_ =	shalt  }
0x6c: {  	_ =	shalt  }
0x6d: {  	_ =	shalt  }
0x6e: {  	_ =	shalt  }
0x6f: {  	_ =	shalt  }
0x70: {  	_ =	shalt  }
0x71: {  	_ =	shalt  }
0x72: {  	_ =	shalt  }
0x73: {  	_ =	shalt  }
0x74: {  	_ =	shalt  }
0x75: {  	_ =	shalt  }
0x76: {  	_ =	shalt  }
0x77: {  	_ =	shalt  }
0x78: {  	_ =	shalt  }
0x79: {  	_ =	shalt  }
0x7a: {  	_ =	shalt  }
0x7b: {  	_ =	shalt  }
0x7c: {  	_ =	shalt  }
0x7d: {  	_ =	shalt  }
0x7e: {  	_ =	shalt  }
0x7f: {  	_ =	shalt  }
0x80: {  	_ =	shalt  }
0x81: {  	_ =	shalt  }
0x82: {  	_ =	shalt  }
0x83: {  	_ =	shalt  }
0x84: {  	_ =	shalt  }
0x85: {  	_ =	shalt  }
0x86: {  	_ =	shalt  }
0x87: {  	_ =	shalt  }
.Lfunc_end0:
.L_simem_size_0:
called_computation_lowered:
.L_overlay_start_0:
0x88: {  	s2 =	sld [smem:$0x3FD9]  }
0x89: {  	s3 =	sld [smem:$0x3FFE];
	_ =	sdelay $0x1  }
0x8a: {  	s1 =	srdreg.scid  }
0x8b: {  	s0 =	sand.u32 $0x1, s1  }
0x8c: {  	s17 =	sshll.u32 s0, $0xA;
	s2 =	sadd.s32 s3, s2  }
0x8d: {  	s2 =	sadd.s32 s2, s17  }
0x8e: {  	[smem:$0x3FC4] =	sst s2  }
0x8f: {  	_ = 	snop  }
0x90: {  	s2 =	sld [smem:$0x3FD0];
	(tm) =	ssettm $0x1  }
0x91: {  	s18 =	sld [smem:$0x3FFB];
	_ =	sdelay $0x3  }
0x92: {  	_ =	strace s18  }
0x93: {  	s3 =	sld [smem:$0x3FFC];
	_ =	sdelay $0x3  }
0x94: {  	_ =	strace s3  }
0x95: {  	s3 =	sld [smem:$0x3FFD];
	_ =	sdelay $0x3  }
0x96: {  	_ =	strace s3  }
0x97: {  	_ =	strace $0x8FFFFFFF  }
0x98: {  	s19 =	sld [smem:$0x3FDB];
	_ =	sdelay $0x1  }
0x99: {  	s4 =	simm.s32 $_scs_section_size  }
0x9a: {  	s5 =	simm.s32 $_size__tile_overlayer_lowered;
	s6 =	simm.s32 $_tile_overlayer_lowered  }
0x9b: {  	s22 =	simm.s32 $0x1BFF;
	s21 =	sshll.u32 s6, $0x1;
	s3 =	sadd.s32 s4, s19  }
0x9c: {  	s7 =	simm.s32 $0x0;
	s20 =	sshll.u32 s5, $0x1;
	s5 =	sadd.s32 s21, s3  }
0x9d: {  	[timem:s7], [sflag:s22] =	dma.local [hbm:s5], s20  }
0x9e: {  	_ =	swait.ge [sflag:s22], s20  }
0x9f: {  	s4 =	ssub.s32 $0x0, s20;
	[sflag:s22] =	ssyncset.done $0x0  }
0xa0: {  	[sflag:s22] =	ssyncadd.s32 s4;
	_ =	sdelay $0x1  }
0xa1: {  	s23 =	simm.s32 $0x1B8B  }
0xa2: {  	_ =	swait.ge [sflag:s23], $0x1  }
0xa3: {  	[sflag:s23] =	ssyncset.done $0x0  }
0xa4: {  	s25 =	simm.s32 $0x1B8E;
	s24 =	sld [smem:$0x3FFE];
	[sflag:s23] =	ssyncadd.s32 $0xFFFFFFFF  }
0xa5: {  	s26 =	simm.s32 $execute0_lowered;
	[smem:$0x3FD2] =	sst s25  }
0xa6: {  	s5 =	sshll.u32 s26, $0x1;
	_ =	strace $0x80000046;
	[dreg:$0x1] =	wrdreg $0xFFFFFFFF  }
0xa7: {  	s28 =	simm.s32 $_size_execute0_lowered;
	s3 =	sadd.s32 s3, s5;
	[dreg:$0x0] =	wrdreg $0x0  }
0xa8: {  	s5 =	sshll.u32 s28, $0x1;
	[dreg:$0x2] =	wrdreg s3  }
0xa9: {  	[dreg:$0x3] =	wrdreg s5  }
0xaa: {  	[dreg:$0x4] =	wrdreg $0xC0  }
0xab: {  	_ =	task [dreg:s7], $0x5FFFF  }
0xac: {  	[dreg:$0x1] =	wrdreg $0xFFFFFFFF  }
0xad: {  	[dreg:$0x0] =	wrdreg $0x60  }
0xae: {  	[dreg:$0x2] =	wrdreg s24  }
0xaf: {  	[dreg:$0x3] =	wrdreg s2  }
0xb0: {  	[dreg:$0x4] =	wrdreg $0x9  }
0xb1: {  	_ =	task.clear_ibuf [dreg:s7], $0x5FFFF;
	_ =	strace $0x90000046  }
0xb2: {  	s29 =	simm.s32 $0x9;
	_ =	strace $0x80000048  }
0xb3: {  	_ =	swait.ge [sflag:s29], $0x1  }
0xb4: {  	[sflag:s29] =	ssyncadd.s32 $0xFFFFFFFF  }
0xb5: {  	_ =	strace $0x90000048  }
0xb6: {  	_ =	sfence  }
0xb7: {  	s30 =	sld [smem:$0x0];
	_ =	sdelay $0x2  }
0xb8: {  	s31 =	sshll.u32 s1, $0xD;
	s1 =	sshrl.u32 s1, $0x2  }
0xb9: {  	s3 =	sand.u32 $0x4000, s31;
	s1 =	sadd.s32 s1, s30  }
0xba: {  	s0 =	sor.u32 s3, s0;
	s1 =	sshll.u32 s1, $0x11  }
0xbb: {  	s0 =	sor.u32 s1, s0  }
0xbc: {  	s0 =	sadd.s32 $0x8F2B, s0  }
0xbd: {  	[sflag:s0] =	ssyncadd.remote.s32 $0x1  }
0xbe: {  	_ =	sfence.sel $0xFFFF  }
0xbf: {  	[dreg:$0x0] =	wrdreg $0xFFFFFFFF;
	(pc) =	sbr.abs _section_cstart, $3  }
0xc0: {  	[dreg:$0x1] =	wrdreg $0xFFFFFFFF  }
0xc1: {  	_ =	task.clear_ibuf [dreg:s7], $0x2FFFF;
	_ =	strace $0x9FFFFFFF  }
0xc2: {  	(tm) =	ssettm $0x7FFFFFFF  }
0xc3: {  	_ =	shalt  }
tec
execute0_lowered:
.L_overlay_start_1:
0x0: {  	(tag) =	ssettag $0x1  }
0x1: {  	s0 =	srdreg.scid;
	s4 =	rddreg [dreg:$0x0]  }
0x2: {  	s5 =	rddreg [dreg:$0x1];
	s3 =	sand.u32 $0x1, s0  }
0x3: {  	s2 =	simm.s32 $0x0;
	s0 =	stileid.u32;
	s1 =	sshll.u32 s3, $0x4  }
0x4: {  	s9 =	simm.s32 $0x2710;
	s10 =	simm.s32 $0x4F10;
	s6 =	sor.u32 s0, s1  }
0x5: {  	s11 =	simm.s32 $0x0;
	s3 =	ssub.s32 $0x2, s3;
	s7 =	smul.u32 $0x2710, s6  }
0x6: {  	[smem:$0x7FF] =	sst s2;
	s8 =	sshrl.u32 s3, $0x1;
	s6 =	smul.u32 $0x5000, s6  }
0x7: {  	s1 =	rddreg [dreg:$0x2];
	_ =	strace $0x80000047;
	s31 =	ssub.s32 s3, s8  }
0x8: {  	s8 =	simm.s32 $0x1;
	s7 =	sshrl.u32 s7, $0x3;
	s6 =	sshrl.u32 s6, $0x3  }
0x9: {  	s4 =	sadd.s32 s7, s4;
	s5 =	sadd.s32 s5, s6;
	s7 =	smax.u32 s31, $0x1  }
0xa: {  	v0 =	vimm.f32 $0.0e+00;
	v1 =	vimm.f32 $1.000000000e+00;
	s3 =	sadd.s32 $0x1A00, s4;
	s4 =	sadd.s32 $0xB640, s4;
	s6 =	sadd.s32 $0x500, s5  }
.LBB2_1:
0xb: {  	s13 =	simm.s32 $0x2750  }
0xc: {  	s12 =	simm.s32 $0x4F50;
	[tilespmem:s13+$0xFFFFFFC0] =	vst v0  }
0xd: {  	[tilespmem:s12+$0xFFFFFFC0] =	vst v0  }
0xe: {  	[tilespmem:s13+$0xFFFFFFD0] =	vst v0  }
0xf: {  	[tilespmem:s12+$0xFFFFFFD0] =	vst v0  }
0x10: {  	[tilespmem:s13+$0xFFFFFFE0] =	vst v0  }
0x11: {  	[tilespmem:s12+$0xFFFFFFE0] =	vst v0  }
0x12: {  	[tilespmem:s13+$0xFFFFFFF0] =	vst v0  }
0x13: {  	[tilespmem:s12+$0xFFFFFFF0] =	vst v0  }
0x14: {  	[tilespmem:s13+$0x0] =	vst v0  }
0x15: {  	[tilespmem:s12+$0x0] =	vst v0  }
0x16: {  	[tilespmem:s13+$0x10] =	vst v0  }
0x17: {  	[tilespmem:s12+$0x10] =	vst v0  }
0x18: {  	[tilespmem:s13+$0x20] =	vst v0  }
0x19: {  	[tilespmem:s12+$0x20] =	vst v0  }
0x1a: {  	[tilespmem:s13+$0x30] =	vst v0  }
0x1b: {  	s14 =	simm.s32 $0x27D0;
	s13 =	simm.s32 $0x0;
	[tilespmem:s12+$0x30] =	vst v0  }
.LBB2_2:
0x1c: {  	[tilespmem:s14+$0xFFFFFFC0] =	vst v0;
	s12 =	sadd.s32 $0x80, s12  }
0x1d: {  	[tilespmem:s12+$0xFFFFFFC0] =	vst v0  }
0x1e: {  	[tilespmem:s14+$0xFFFFFFD0] =	vst v0  }
0x1f: {  	[tilespmem:s12+$0xFFFFFFD0] =	vst v0  }
0x20: {  	[tilespmem:s14+$0xFFFFFFE0] =	vst v0  }
0x21: {  	[tilespmem:s12+$0xFFFFFFE0] =	vst v0  }
0x22: {  	[tilespmem:s14+$0xFFFFFFF0] =	vst v0  }
0x23: {  	[tilespmem:s12+$0xFFFFFFF0] =	vst v0  }
0x24: {  	[tilespmem:s14+$0x0] =	vst v0  }
0x25: {  	s13 =	sadd.s32 $0x8, s13;
	[tilespmem:s12+$0x0] =	vst v0  }
0x26: {  	p0 =	slt.u32 s13, $0x278;
	[tilespmem:s14+$0x10] =	vst v0  }
.Ltmp0:
0x27: {  	[tilespmem:s12+$0x10] =	vst v0;
	(pc) =	sbr.rel @p0 .LBB2_2-.Ltmp0, $4  }
0x28: {  	[tilespmem:s14+$0x20] =	vst v0  }
0x29: {  	[tilespmem:s12+$0x20] =	vst v0  }
0x2a: {  	[tilespmem:s14+$0x30] =	vst v0  }
0x2b: {  	s14 =	sadd.s32 $0x80, s14;
	[tilespmem:s12+$0x30] =	vst v0  }
0x2c: {  	[tilespmem:s2], [sflag:$0x1] =	stream.linear.gather [hbm4b:s3+s2], $0x2710, $0x38;
	[tilespmem:$0x7710] =	vst v63  }
0x2d: {  	_ =	swait.ge [sflag:s8], $0x2710  }
0x2e: {  	[sflag:s8] =	ssyncset.done $0x0  }
0x2f: {  	s12 =	simm.s32 $0xFFFFFFF8;
	s13 =	simm.s32 $0x40;
	[sflag:s8] =	ssyncadd.s32 $0xFFFFD8F0  }
.LBB2_4:
0x30: {  	v2 =	vld [tilespmem:s13+$0xFFFFFFC0];
	_ =	sdelay $0x7  }
0x31: {  	[tilespmem:v2+s9+$0x0] =	vst.idx.add.f32.msk $0xffff, v1  }
0x32: {  	v2 =	vld [tilespmem:s13+$0xFFFFFFD0];
	_ =	sdelay $0x7  }
0x33: {  	[tilespmem:v2+s9+$0x0] =	vst.idx.add.f32.msk $0xffff, v1  }
0x34: {  	v2 =	vld [tilespmem:s13+$0xFFFFFFE0];
	_ =	sdelay $0x7  }
0x35: {  	[tilespmem:v2+s9+$0x0] =	vst.idx.add.f32.msk $0xffff, v1  }
0x36: {  	v2 =	vld [tilespmem:s13+$0xFFFFFFF0];
	_ =	sdelay $0x7  }
0x37: {  	[tilespmem:v2+s9+$0x0] =	vst.idx.add.f32.msk $0xffff, v1  }
0x38: {  	v2 =	vld [tilespmem:s13+$0x0];
	_ =	sdelay $0x7  }
0x39: {  	[tilespmem:v2+s9+$0x0] =	vst.idx.add.f32.msk $0xffff, v1  }
0x3a: {  	v2 =	vld [tilespmem:s13+$0x10];
	_ =	sdelay $0x7  }
0x3b: {  	[tilespmem:v2+s9+$0x0] =	vst.idx.add.f32.msk $0xffff, v1  }
0x3c: {  	v2 =	vld [tilespmem:s13+$0x20];
	_ =	sdelay $0x7  }
0x3d: {  	[tilespmem:v2+s9+$0x0] =	vst.idx.add.f32.msk $0xffff, v1  }
0x3e: {  	v2 =	vld [tilespmem:s13+$0x30];
	_ =	sdelay $0x1  }
0x3f: {  	s12 =	sadd.s32 $0x8, s12  }
0x40: {  	p0 =	slt.u32 s12, $0x268  }
.Ltmp1:
0x41: {  	_ = 	snop;
	(pc) =	sbr.rel @p0 .LBB2_4-.Ltmp1, $2  }
0x42: {  	_ =	sdelay $0x2  }
0x43: {  	s13 =	sadd.s32 $0x80, s13;
	[tilespmem:v2+s9+$0x0] =	vst.idx.add.f32.msk $0xffff, v1  }
0x44: {  	v2 =	vld [tilespmem:$0x2700];
	_ =	sdelay $0x7  }
0x45: {  	[tilespmem:v2+s9+$0x0] =	vst.idx.add.f32.msk $0xffff, v1  }
0x46: {  	[tilespmem:s2], [sflag:$0x1] =	stream.linear.gather [hbm4b:s4+s2], $0x2710, $0x38;
	[tilespmem:$0x7710] =	vst v63  }
0x47: {  	_ =	swait.ge [sflag:s8], $0x2710  }
0x48: {  	[sflag:s8] =	ssyncset.done $0x0  }
0x49: {  	s12 =	simm.s32 $0xFFFFFFF8;
	s13 =	simm.s32 $0x40;
	[sflag:s8] =	ssyncadd.s32 $0xFFFFD8F0  }
.LBB2_6:
0x4a: {  	v2 =	vld [tilespmem:s13+$0xFFFFFFC0];
	_ =	sdelay $0x7  }
0x4b: {  	[tilespmem:v2+s10+$0x0] =	vst.idx.add.f32.msk $0xffff, v1  }
0x4c: {  	v2 =	vld [tilespmem:s13+$0xFFFFFFD0];
	_ =	sdelay $0x7  }
0x4d: {  	[tilespmem:v2+s10+$0x0] =	vst.idx.add.f32.msk $0xffff, v1  }
0x4e: {  	v2 =	vld [tilespmem:s13+$0xFFFFFFE0];
	_ =	sdelay $0x7  }
0x4f: {  	[tilespmem:v2+s10+$0x0] =	vst.idx.add.f32.msk $0xffff, v1  }
0x50: {  	v2 =	vld [tilespmem:s13+$0xFFFFFFF0];
	_ =	sdelay $0x7  }
0x51: {  	[tilespmem:v2+s10+$0x0] =	vst.idx.add.f32.msk $0xffff, v1  }
0x52: {  	v2 =	vld [tilespmem:s13+$0x0];
	_ =	sdelay $0x7  }
0x53: {  	[tilespmem:v2+s10+$0x0] =	vst.idx.add.f32.msk $0xffff, v1  }
0x54: {  	v2 =	vld [tilespmem:s13+$0x10];
	_ =	sdelay $0x7  }
0x55: {  	[tilespmem:v2+s10+$0x0] =	vst.idx.add.f32.msk $0xffff, v1  }
0x56: {  	v2 =	vld [tilespmem:s13+$0x20];
	_ =	sdelay $0x7  }
0x57: {  	[tilespmem:v2+s10+$0x0] =	vst.idx.add.f32.msk $0xffff, v1  }
0x58: {  	v2 =	vld [tilespmem:s13+$0x30];
	_ =	sdelay $0x1  }
0x59: {  	s12 =	sadd.s32 $0x8, s12  }
0x5a: {  	p0 =	slt.u32 s12, $0x268  }
.Ltmp2:
0x5b: {  	_ = 	snop;
	(pc) =	sbr.rel @p0 .LBB2_6-.Ltmp2, $2  }
0x5c: {  	_ =	sdelay $0x2  }
0x5d: {  	s13 =	sadd.s32 $0x80, s13;
	[tilespmem:v2+s10+$0x0] =	vst.idx.add.f32.msk $0xffff, v1  }
0x5e: {  	v2 =	vld [tilespmem:$0x2700];
	_ =	sdelay $0x7  }
0x5f: {  	[tilespmem:v2+s10+$0x0] =	vst.idx.add.f32.msk $0xffff, v1  }
0x60: {  	[hbm4b:s5+s2] =	stream.linear.scatter [tilespmem:s9], [sflag:$0x1], $0x2800, $0x38;
	[tilespmem:$0x7710] =	vst v63  }
0x61: {  	s11 =	sadd.s32 $0x1, s11;
	_ =	swait.ge [sflag:s8], $0x2800  }
0x62: {  	p0 =	sne.s32 s11, s7;
	[sflag:s8] =	ssyncset.done $0x0  }
.Ltmp3:
0x63: {  	[sflag:s8] =	ssyncadd.s32 $0xFFFFD800;
	(pc) =	sbr.rel @p0 .LBB2_1-.Ltmp3, $4  }
0x64: {  	[hbm4b:s6+s2] =	stream.linear.scatter [tilespmem:s10], [sflag:$0x1], $0x2800, $0x38;
	[tilespmem:$0x7710] =	vst v63  }
0x65: {  	_ =	swait.ge [sflag:s8], $0x2800  }
0x66: {  	[sflag:s8] =	ssyncset.done $0x0  }
0x67: {  	[sflag:s8] =	ssyncadd.s32 $0xFFFFD800  }
0x68: {  	_ =	sfence.sel $0x180000  }
0x69: {  	[bflag:$0x0] =	sbarrier.arrive $0xFFFF  }
0x6a: {  	p0 =	sne.s32 s0, $0x0;
	_ =	strace $0x90000047  }
0x6b: {  	s0 =	sadd.s32 @!p0 $0x100000, s1;
	[bflag:$0x2] =	sbarrier.arrive $0xFFFF  }
0x6c: {  	[sflag:s0] =	ssyncadd.tile.s32 @!p0 $0x1;
	_ =	shalt  }
.Lfunc_end2:
_tile_overlayer_lowered:
.L_overlay_start_2:
0x6d: {  	(tag) =	ssettag $0x2  }
0x6e: {  	s0 =	rddreg [dreg:$0x0];
	s2 =	stileid.u32  }
0x6f: {  	s1 =	rddreg [dreg:$0x1];
	p0 =	sne.s32 s2, $0x0  }
0x70: {  	s3 =	rddreg [dreg:$0x2];
	[bflag:$0x3] =	sbarrier.arrive $0xFFFF;
	s2 =	simm.s32 @!p0 $0x1C01  }
0x71: {  	[timem:s3], [sflag:s2] =	dma.local @!p0 [hbm:s0], s1  }
0x72: {  	s0 =	simm.s32 @!p0 $0x1  }
0x73: {  	_ =	swait.ge @!p0 [sflag:s0], s1  }
0x74: {  	s1 =	ssub.s32 @!p0 $0x0, s1;
	[sflag:s0] =	ssyncset.done @!p0 $0x0  }
0x75: {  	[sflag:s0] =	ssyncadd.s32 @!p0 s1  }
0x76: {  	[bflag:$0x3] =	sbarrier.arrive $0xFFFF  }
0x77: {  	_ =	shalt  }

// kernel: kernel.9.cloned.1.call-start
scs
__scs_entry_jumppad:
0x0: {  	(pc) =	sbr.rel $0x88, $3  }
0x1: {  	(tag) =	ssettag $0x0;
	lr =	simm.s32 $0x1  }
0x2: {  	[smem:$0x3F9D] =	sst lr;
	_ =	strace $0xD0000000  }
0x3: {  	_ = 	snop  }
0x4: {  	_ = 	snop  }
0x5: {  	_ = 	snop  }
0x6: {  	_ = 	snop  }
0x7: {  	_ = 	snop  }
__scs_overlays_trampoline_lowered:
0x8: {  	[smem:$0x3FAC] =	sst s0  }
0x9: {  	[smem:$0x3FAD] =	sst s1  }
0xa: {  	[smem:$0x3FAE] =	sst s2  }
0xb: {  	[smem:$0x3FAF] =	sst s3  }
0xc: {  	[smem:$0x3FB0] =	sst s4  }
0xd: {  	[smem:$0x3FB1] =	sst s5  }
0xe: {  	[smem:$0x3FB2] =	sst s6  }
0xf: {  	[smem:$0x3FB3] =	sst s7  }
0x10: {  	[smem:$0x3FB4] =	sst s8  }
0x11: {  	[smem:$0x3FB5] =	sst s9;
	s0 =	simm.s32 @!p0 $0x0  }
0x12: {  	s1 =	sld [smem:$0x3F9B];
	s0 =	simm.s32 @p0 $0x1  }
0x13: {  	[smem:$0x3FB6] =	sst s0;
	s0 =	simm.s32 @!p1 $0x0  }
0x14: {  	s2 =	sld [smem:$0x3F9A];
	s0 =	simm.s32 @p1 $0x1  }
0x15: {  	[smem:$0x3FB7] =	sst s0;
	s0 =	simm.s32 @!p2 $0x0  }
0x16: {  	s3 =	sld [smem:$0x3FDB];
	s0 =	simm.s32 @p2 $0x1  }
0x17: {  	s4 =	simm.s32 $0x1BF5;
	[smem:$0x3FB9] =	sst s0  }
0x18: {  	s0 =	sld [smem:$0x3F9C];
	_ =	swait.ge [sflag:s4], $0x0  }
0x19: {  	s7 =	sld [smem:$0x3F9D]  }
0x1a: {  	s8 =	sadd.s32 $0xFFFFE003, lr  }
0x1b: {  	s9 =	sadd.s32 $0xFFFFFEF7, lr;
	s5 =	simm.s32 $0xFFFFFFFF;
	p2 =	slt.u32 s8, $0xFFFFF086  }
0x1c: {  	p1 =	slt.u32 s9, $0xF7A;
	s5 =	simm.s32 @!p2 $0x0  }
0x1d: {  	s5 =	simm.s32 @p1 $0x1;
	p0 =	seq.s32 s7, s2  }
0x1e: {  	s7 =	smul.u32 @!p0 $0xF7A, s2;
	p2 =	seq.s32 @!p0 s5, $0x0  }
0x1f: {  	s9 =	smul.u32 $0xF7A, s1;
	s8 =	simm.s32 @!p0 $0x1BF5;
	p2 =	por !p2, p0  }
0x20: {  	[sflag:s8] =	ssyncset.s32 @!p0 $0xFFFFF086;
	s6 =	sadd.s32 @!p0 s3, s7;
	s7 =	simm.s32 @!p0 $0x108  }
0x21: {  	s3 =	sadd.s32 s3, s9;
	s6 =	sadd.s32 @!p0 $0x88, s6;
	s7 =	simm.s32 @p2 $0x1082  }
0x22: {  	[simem:s7], [sflag:s8] =	dma.local @!p0 [hbm:s6], $0xF7A  }
0x23: {  	s9 =	sor.u32 $0xD0000000, s2;
	s6 =	simm.s32 $0x108;
	_ =	swait.ge @!p0 [sflag:s8], $0x0  }
0x24: {  	s3 =	sadd.s32 $0x88, s3;
	s6 =	simm.s32 @!p1 $0x1082;
	[sflag:s4] =	ssyncset.s32 $0xFFFFF086  }
0x25: {  	[simem:s6], [sflag:s4] =	dma.local [hbm:s3], $0xF7A  }
0x26: {  	[smem:$0x3F9D] =	sst s1;
	(tag) =	ssettag s2;
	_ =	strace s9  }
0x27: {  	s1 =	sld [smem:$0x3FAD]  }
0x28: {  	s2 =	sld [smem:$0x3FAE]  }
0x29: {  	s4 =	sld [smem:$0x3FB0]  }
0x2a: {  	p0 =	seq.s32 s5, $0x0;
	s5 =	sld [smem:$0x3FB1]  }
0x2b: {  	s6 =	sld [smem:$0x3FB2]  }
0x2c: {  	s7 =	sld [smem:$0x3FB3]  }
0x2d: {  	s3 =	simm.s32 $0x108;
	s8 =	sld [smem:$0x3FB4]  }
0x2e: {  	s3 =	simm.s32 @!p0 $0x1082;
	s9 =	sld [smem:$0x3FB5]  }
0x2f: {  	lr =	sadd.s32 s0, s3;
	s0 =	sld [smem:$0x3FAC]  }
0x30: {  	s3 =	sld [smem:$0x3FAF]  }
0x31: {  	[smem:$0x3FB8] =	sst s10  }
0x32: {  	s10 =	sld [smem:$0x3FB6];
	_ =	sdelay $0x3  }
0x33: {  	p0 =	seq.s32 s10, $0x1;
	s10 =	sld [smem:$0x3FB8];
	_ =	sdelay $0x3  }
0x34: {  	[smem:$0x3FB8] =	sst s10  }
0x35: {  	s10 =	sld [smem:$0x3FB7];
	_ =	sdelay $0x3  }
0x36: {  	p1 =	seq.s32 s10, $0x1;
	s10 =	sld [smem:$0x3FB8];
	_ =	sdelay $0x3  }
0x37: {  	[smem:$0x3FB8] =	sst s10  }
0x38: {  	s10 =	sld [smem:$0x3FB9]  }
0x39: {  	_ = 	snop;
	(pc) =	sbr.ind lr, $3  }
0x3a: {  	_ = 	snop  }
0x3b: {  	_ = 	snop  }
0x3c: {  	p2 =	seq.s32 s10, $0x1;
	s10 =	sld [smem:$0x3FB8]  }
0x3d: {  	_ =	shalt  }
0x3e: {  	_ =	shalt  }
0x3f: {  	_ =	shalt  }
0x40: {  	_ =	shalt  }
0x41: {  	_ =	shalt  }
0x42: {  	_ =	shalt  }
0x43: {  	_ =	shalt  }
0x44: {  	_ =	shalt  }
0x45: {  	_ =	shalt  }
0x46: {  	_ =	shalt  }
0x47: {  	_ =	shalt  }
0x48: {  	_ =	shalt  }
0x49: {  	_ =	shalt  }
0x4a: {  	_ =	shalt  }
0x4b: {  	_ =	shalt  }
0x4c: {  	_ =	shalt  }
0x4d: {  	_ =	shalt  }
0x4e: {  	_ =	shalt  }
0x4f: {  	_ =	shalt  }
0x50: {  	_ =	shalt  }
0x51: {  	_ =	shalt  }
0x52: {  	_ =	shalt  }
0x53: {  	_ =	shalt  }
0x54: {  	_ =	shalt  }
0x55: {  	_ =	shalt  }
0x56: {  	_ =	shalt  }
0x57: {  	_ =	shalt  }
0x58: {  	_ =	shalt  }
0x59: {  	_ =	shalt  }
0x5a: {  	_ =	shalt  }
0x5b: {  	_ =	shalt  }
0x5c: {  	_ =	shalt  }
0x5d: {  	_ =	shalt  }
0x5e: {  	_ =	shalt  }
0x5f: {  	_ =	shalt  }
0x60: {  	_ =	shalt  }
0x61: {  	_ =	shalt  }
0x62: {  	_ =	shalt  }
0x63: {  	_ =	shalt  }
0x64: {  	_ =	shalt  }
0x65: {  	_ =	shalt  }
0x66: {  	_ =	shalt  }
0x67: {  	_ =	shalt  }
0x68: {  	_ =	shalt  }
0x69: {  	_ =	shalt  }
0x6a: {  	_ =	shalt  }
0x6b: {  	_ =	shalt  }
0x6c: {  	_ =	shalt  }
0x6d: {  	_ =	shalt  }
0x6e: {  	_ =	shalt  }
0x6f: {  	_ =	shalt  }
0x70: {  	_ =	shalt  }
0x71: {  	_ =	shalt  }
0x72: {  	_ =	shalt  }
0x73: {  	_ =	shalt  }
0x74: {  	_ =	shalt  }
0x75: {  	_ =	shalt  }
0x76: {  	_ =	shalt  }
0x77: {  	_ =	shalt  }
0x78: {  	_ =	shalt  }
0x79: {  	_ =	shalt  }
0x7a: {  	_ =	shalt  }
0x7b: {  	_ =	shalt  }
0x7c: {  	_ =	shalt  }
0x7d: {  	_ =	shalt  }
0x7e: {  	_ =	shalt  }
0x7f: {  	_ =	shalt  }
0x80: {  	_ =	shalt  }
0x81: {  	_ =	shalt  }
0x82: {  	_ =	shalt  }
0x83: {  	_ =	shalt  }
0x84: {  	_ =	shalt  }
0x85: {  	_ =	shalt  }
0x86: {  	_ =	shalt  }
0x87: {  	_ =	shalt  }
.Lfunc_end0:
.L_simem_size_0:
called_computation.1_lowered:
.L_overlay_start_0:
0x88: {  	s2 =	sld [smem:$0x3FD9]  }
0x89: {  	s3 =	sld [smem:$0x3FFE];
	_ =	sdelay $0x1  }
0x8a: {  	s1 =	srdreg.scid  }
0x8b: {  	s0 =	sand.u32 $0x1, s1  }
0x8c: {  	s17 =	sshll.u32 s0, $0xA;
	s2 =	sadd.s32 s3, s2  }
0x8d: {  	s2 =	sadd.s32 s2, s17  }
0x8e: {  	[smem:$0x3FC4] =	sst s2  }
0x8f: {  	_ = 	snop  }
0x90: {  	s2 =	sld [smem:$0x3FD0];
	(tm) =	ssettm $0x1  }
0x91: {  	s18 =	sld [smem:$0x3FFB];
	_ =	sdelay $0x3  }
0x92: {  	_ =	strace s18  }
0x93: {  	s3 =	sld [smem:$0x3FFC];
	_ =	sdelay $0x3  }
0x94: {  	_ =	strace s3  }
0x95: {  	s3 =	sld [smem:$0x3FFD];
	_ =	sdelay $0x3  }
0x96: {  	_ =	strace s3  }
0x97: {  	_ =	strace $0x8FFFFFFF  }
0x98: {  	s19 =	sld [smem:$0x3FDB];
	_ =	sdelay $0x1  }
0x99: {  	s4 =	simm.s32 $_scs_section_size  }
0x9a: {  	s5 =	simm.s32 $_size__tile_overlayer_lowered;
	s6 =	simm.s32 $_tile_overlayer_lowered  }
0x9b: {  	s22 =	simm.s32 $0x1BFF;
	s21 =	sshll.u32 s6, $0x1;
	s3 =	sadd.s32 s4, s19  }
0x9c: {  	s7 =	simm.s32 $0x0;
	s20 =	sshll.u32 s5, $0x1;
	s5 =	sadd.s32 s21, s3  }
0x9d: {  	[timem:s7], [sflag:s22] =	dma.local [hbm:s5], s20  }
0x9e: {  	_ =	swait.ge [sflag:s22], s20  }
0x9f: {  	s4 =	ssub.s32 $0x0, s20;
	[sflag:s22] =	ssyncset.done $0x0  }
0xa0: {  	[sflag:s22] =	ssyncadd.s32 s4;
	_ =	sdelay $0x1  }
0xa1: {  	s23 =	simm.s32 $0x1B8B  }
0xa2: {  	_ =	swait.ge [sflag:s23], $0x1  }
0xa3: {  	[sflag:s23] =	ssyncset.done $0x0  }
0xa4: {  	s25 =	simm.s32 $0x1B8E;
	s24 =	sld [smem:$0x3FFE];
	[sflag:s23] =	ssyncadd.s32 $0xFFFFFFFF  }
0xa5: {  	s26 =	simm.s32 $execute0_lowered;
	[smem:$0x3FD2] =	sst s25  }
0xa6: {  	s5 =	sshll.u32 s26, $0x1;
	_ =	strace $0x80000049;
	[dreg:$0x1] =	wrdreg $0xFFFFFFFF  }
0xa7: {  	s28 =	simm.s32 $_size_execute0_lowered;
	s3 =	sadd.s32 s3, s5;
	[dreg:$0x0] =	wrdreg $0x0  }
0xa8: {  	s5 =	sshll.u32 s28, $0x1;
	[dreg:$0x2] =	wrdreg s3  }
0xa9: {  	[dreg:$0x3] =	wrdreg s5  }
0xaa: {  	[dreg:$0x4] =	wrdreg $0xC0  }
0xab: {  	_ =	task [dreg:s7], $0x5FFFF  }
0xac: {  	[dreg:$0x1] =	wrdreg $0xFFFFFFFF  }
0xad: {  	[dreg:$0x0] =	wrdreg $0x60  }
0xae: {  	[dreg:$0x2] =	wrdreg s2  }
0xaf: {  	[dreg:$0x3] =	wrdreg s24  }
0xb0: {  	[dreg:$0x4] =	wrdreg $0xB4A00  }
0xb1: {  	[dreg:$0x5] =	wrdreg $0x9  }
0xb2: {  	_ =	task.clear_ibuf [dreg:s7], $0x6FFFF;
	_ =	strace $0x90000049  }
0xb3: {  	s29 =	simm.s32 $0x9;
	_ =	strace $0x8000004B  }
0xb4: {  	_ =	swait.ge [sflag:s29], $0x1  }
0xb5: {  	[sflag:s29] =	ssyncadd.s32 $0xFFFFFFFF  }
0xb6: {  	_ =	strace $0x9000004B  }
0xb7: {  	_ =	sfence  }
0xb8: {  	s30 =	sld [smem:$0x0];
	_ =	sdelay $0x2  }
0xb9: {  	s31 =	sshll.u32 s1, $0xD;
	s1 =	sshrl.u32 s1, $0x2  }
0xba: {  	s3 =	sand.u32 $0x4000, s31;
	s1 =	sadd.s32 s1, s30  }
0xbb: {  	s0 =	sor.u32 s3, s0;
	s1 =	sshll.u32 s1, $0x11  }
0xbc: {  	s0 =	sor.u32 s1, s0  }
0xbd: {  	s0 =	sadd.s32 $0x8F2B, s0  }
0xbe: {  	[sflag:s0] =	ssyncadd.remote.s32 $0x1  }
0xbf: {  	_ =	sfence.sel $0xFFFF  }
0xc0: {  	[dreg:$0x0] =	wrdreg $0xFFFFFFFF;
	(pc) =	sbr.abs _section_cstart, $3  }
0xc1: {  	[dreg:$0x1] =	wrdreg $0xFFFFFFFF  }
0xc2: {  	_ =	task.clear_ibuf [dreg:s7], $0x2FFFF;
	_ =	strace $0x9FFFFFFF  }
0xc3: {  	(tm) =	ssettm $0x7FFFFFFF  }
tec
execute0_lowered:
.L_overlay_start_1:
0x0: {  	(tag) =	ssettag $0x1  }
0x1: {  	s1 =	rddreg [dreg:$0x0]  }
0x2: {  	s0 =	srdreg.scid;
	s2 =	rddreg [dreg:$0x1]  }
0x3: {  	s12 =	stileid.u32;
	s3 =	rddreg [dreg:$0x2];
	s4 =	simm.s32 $0x0  }
0x4: {  	s15 =	simm.s32 $0x5;
	s16 =	simm.s32 $0x1;
	s17 =	simm.s32 $0x80  }
0x5: {  	s18 =	simm.s32 $0x2820;
	s19 =	simm.s32 $0x2710;
	s20 =	simm.s32 $0x6820  }
0x6: {  	s21 =	simm.s32 $0x2790;
	s22 =	simm.s32 $0x3;
	s23 =	simm.s32 $0x2  }
0x7: {  	s24 =	simm.s32 $0x4;
	s28 =	simm.s32 $0x10;
	s30 =	simm.s32 $0x2810  }
0x8: {  	s31 =	simm.s32 $0x0;
	s0 =	sand.u32 $0x1, s0;
	s9 =	smul.u32 $0x13880, s12  }
0x9: {  	[smem:$0x7FF] =	sst s4;
	s13 =	sadd.s32 $0x1A00, s2;
	s11 =	smul.u32 $0x2710, s12  }
0xa: {  	s5 =	smul.u32 $0x138800, s0;
	s6 =	sshll.u32 s0, $0x4;
	_ =	strace $0x8000004A  }
0xb: {  	s26 =	ssub.s32 $0x2, s0;
	s0 =	smul.u32 $0x27100, s0;
	s6 =	sor.u32 s12, s6  }
0xc: {  	s7 =	sshrl.u32 s26, $0x1;
	s29 =	sadd.s32 s9, s3;
	s12 =	smul.u32 $0x4E200, s12  }
0xd: {  	s5 =	sadd.s32 s9, s5;
	s6 =	smul.u32 $0x2710, s6;
	s10 =	ssub.s32 s26, s7  }
0xe: {  	s0 =	sadd.s32 s11, s0;
	s25 =	sshrl.u32 s29, $0x3;
	s5 =	sshrl.u32 s5, $0x3  }
0xf: {  	s9 =	smax.u32 s10, $0x1;
	s11 =	sadd.s32 $0x4E300, s0;
	s12 =	sshrl.u32 s12, $0x2  }
0x10: {  	s0 =	sadd.s32 $0x4E280, s0;
	s2 =	sadd.s32 s5, s2;
	s6 =	sshrl.u32 s6, $0x3  }
0x11: {  	s14 =	sshrl.u32 s11, $0x3;
	s11 =	sadd.s32 s12, s3;
	s0 =	sshrl.u32 s0, $0x3  }
0x12: {  	s5 =	sadd.s32 s13, s6;
	s8 =	sadd.s32 $0x15400, s2;
	s12 =	sadd.s32 s14, s13  }
0x13: {  	s13 =	sadd.s32 s0, s13;
	s14 =	simm.s32 $0xA820;
	s6 =	sadd.s32 $0x9C40, s5  }
0x14: {  	v0 =	vimm.f32 $0.0e+00;
	s7 =	sadd.s32 $0xA120, s5;
	s10 =	sadd.s32 $0xA110, s5;
	[dreg:$0x4] =	wrdreg s6  }
.LBB2_1:
0x15: {  	[tilespmem:s4], [sflag:$0x1] =	stream.linear.gather [hbm4b:s5+s4], $0x2710, $0x38;
	[tilespmem:$0x1ED20] =	vst v63  }
0x16: {  	s0 =	simm.s32 $0x70;
	s2 =	simm.s32 $0x3C0  }
.LBB2_2:
0x17: {  	p0 =	sne.s32 s2, $0x31C0;
	[tilespmem:s0+$0xA820] =	vst v0  }
0x18: {  	[tilespmem:s0+$0xA7B0] =	vst v0  }
0x19: {  	[tilespmem:s0+$0xA7C0] =	vst v0  }
.Ltmp0:
0x1a: {  	[tilespmem:s0+$0xA7D0] =	vst v0;
	(pc) =	sbr.rel @p0 .LBB2_2-.Ltmp0, $4  }
0x1b: {  	[tilespmem:s0+$0xA7E0] =	vst v0  }
0x1c: {  	[tilespmem:s0+$0xA7F0] =	vst v0  }
0x1d: {  	[tilespmem:s0+$0xA800] =	vst v0  }
0x1e: {  	[tilespmem:s0+$0xA810] =	vst v0;
	s0 =	sshra.s32 s2, $0x2;
	s2 =	sadd.s32 $0x200, s2  }
0x1f: {  	[tilespmem:s0+$0xA820] =	vst v0  }
0x20: {  	[tilespmem:s0+$0xA7B0] =	vst v0  }
0x21: {  	[tilespmem:s0+$0xA7C0] =	vst v0  }
0x22: {  	[tilespmem:s0+$0xA7D0] =	vst v0  }
0x23: {  	[tilespmem:s0+$0xA7E0] =	vst v0  }
0x24: {  	[tilespmem:s0+$0xA7F0] =	vst v0  }
0x25: {  	[tilespmem:s0+$0xA800] =	vst v0  }
0x26: {  	[tilespmem:s0+$0xA810] =	vst v0;
	s29 =	sadd.s32 $0x0, s11  }
0x27: {  	[spmem:s29] =	stream.linear.scatter [tilespmem:s14], [sflag:$0x5], $0xC80, $0x38;
	[tilespmem:$0x1ED20] =	vst v63  }
0x28: {  	s0 =	simm.s32 $0x3200;
	_ =	swait.ge [sflag:s15], $0xC80  }
.LBB2_4:
0x29: {  	s2 =	sshra.s32 s0, $0x2;
	[sflag:s15] =	ssyncset.done $0x0;
	p0 =	sne.s32 s0, $0x4B000  }
.Ltmp1:
0x2a: {  	s2 =	sadd.s32 s2, s11;
	[sflag:s15] =	ssyncadd.s32 $0xFFFFF380;
	(pc) =	sbr.rel @p0 .LBB2_4-.Ltmp1, $3  }
0x2b: {  	[spmem:s2] =	stream.linear.scatter [tilespmem:s14], [sflag:$0x5], $0xC80, $0x38;
	[tilespmem:$0x1ED20] =	vst v63  }
0x2c: {  	s0 =	sadd.s32 $0x3200, s0;
	_ =	sdelay $0x1  }
0x2d: {  	_ =	swait.ge [sflag:s15], $0xC80  }
0x2e: {  	[sflag:s15] =	ssyncset.done $0x0  }
0x2f: {  	[sflag:s15] =	ssyncadd.s32 $0xFFFFF380  }
0x30: {  	_ =	swait.ge [sflag:s16], $0x2710  }
0x31: {  	[sflag:s16] =	ssyncset.done $0x0  }
0x32: {  	[sflag:s16] =	ssyncadd.s32 $0xFFFFD8F0  }
0x33: {  	s0 =	simm.s32 $0x0;
	[bflag:$0x0] =	sbarrier.arrive $0xFFFF  }
0x34: {  	[tilespmem:s18], [sflag:$0x1] =	stream.indirect.gather [hbm4b:s1+s17], $0x80, s0, s17, $0xb8;
	[tilespmem:$0x1ED20] =	vst v63  }
0x35: {  	s2 =	rddreg [dreg:$0x4]  }
0x36: {  	[tilespmem:s19], [sflag:$0x3] =	stream.linear.gather [hbm4b:s2+s0], $0x80, $0x38;
	[tilespmem:$0x1ED20] =	vst v63  }
0x37: {  	s2 =	simm.s32 $0x80  }
0x38: {  	[tilespmem:s20], [sflag:$0x2] =	stream.indirect.gather [hbm4b:s1+s17], $0x80, s2, s17, $0xb8;
	[tilespmem:$0x1ED20] =	vst v63  }
0x39: {  	s6 =	sadd.s32 $0x0, s13  }
0x3a: {  	[tilespmem:s21], [sflag:$0x4] =	stream.linear.gather [hbm4b:s6+s4], $0x80, $0x38;
	[tilespmem:$0x1ED20] =	vst v63  }
0x3b: {  	_ =	swait.ge [sflag:s16], $0x4000  }
0x3c: {  	[sflag:s16] =	ssyncset.done $0x0  }
0x3d: {  	[sflag:s16] =	ssyncadd.s32 $0xFFFFC000  }
0x3e: {  	_ =	swait.ge [sflag:s22], $0x80  }
0x3f: {  	[sflag:s22] =	ssyncset.done $0x0  }
0x40: {  	[sflag:s22] =	ssyncadd.s32 $0xFFFFFF80  }
0x41: {  	[spmem:s3] =	stream.indirect.scatter.add.f32 [tilespmem:s18], [sflag:$0x5], $0x80, s19, s17, $0xb8;
	[tilespmem:$0x1ED20] =	vst v63  }
0x42: {  	_ =	swait.ge [sflag:s15], $0x4000  }
0x43: {  	[sflag:s15] =	ssyncset.done $0x0  }
0x44: {  	s26 =	simm.s32 $0x100;
	[sflag:s15] =	ssyncadd.s32 $0xFFFFC000  }
0x45: {  	[tilespmem:s18], [sflag:$0x1] =	stream.indirect.gather [hbm4b:s1+s17], $0x80, s26, s17, $0xb8;
	[tilespmem:$0x1ED20] =	vst v63  }
0x46: {  	s29 =	sadd.s32 $0x0, s12  }
0x47: {  	[tilespmem:s19], [sflag:$0x3] =	stream.linear.gather [hbm4b:s29+s4], $0x80, $0x38;
	[tilespmem:$0x1ED20] =	vst v63  }
0x48: {  	_ =	swait.ge [sflag:s23], $0x4000  }
0x49: {  	[sflag:s23] =	ssyncset.done $0x0  }
0x4a: {  	[sflag:s23] =	ssyncadd.s32 $0xFFFFC000  }
0x4b: {  	_ =	swait.ge [sflag:s24], $0x80  }
0x4c: {  	[sflag:s24] =	ssyncset.done $0x0  }
0x4d: {  	[sflag:s24] =	ssyncadd.s32 $0xFFFFFF80  }
0x4e: {  	[spmem:s3] =	stream.indirect.scatter.add.f32 [tilespmem:s20], [sflag:$0x5], $0x80, s21, s17, $0xb8;
	[tilespmem:$0x1ED20] =	vst v63  }
0x4f: {  	s0 =	simm.s32 $0x200;
	_ =	swait.ge [sflag:s15], $0x4000  }
0x50: {  	s2 =	simm.s32 $0x20;
	s26 =	simm.s32 $0x40;
	[sflag:s15] =	ssyncset.done $0x0  }
.LBB2_6:
0x51: {  	p0 =	sne.s32 s26, $0x4A0;
	s29 =	sadd.s32 $0xFFFFFF80, s0;
	[sflag:s15] =	ssyncadd.s32 $0xFFFFC000  }
0x52: {  	[tilespmem:s20], [sflag:$0x2] =	stream.indirect.gather [hbm4b:s1+s17], $0x80, s29, s17, $0xb8;
	[tilespmem:$0x1ED20] =	vst v63  }
0x53: {  	s6 =	smov.u32 s26;
	s26 =	sadd.s32 $0x20, s26;
	s29 =	sadd.s32 s2, s13  }
0x54: {  	[tilespmem:s21], [sflag:$0x4] =	stream.linear.gather [hbm4b:s29+s4], $0x80, $0x38;
	[tilespmem:$0x1ED20] =	vst v63  }
0x55: {  	_ =	swait.ge [sflag:s16], $0x4000  }
0x56: {  	[sflag:s16] =	ssyncset.done $0x0  }
0x57: {  	[sflag:s16] =	ssyncadd.s32 $0xFFFFC000  }
0x58: {  	_ =	swait.ge [sflag:s22], $0x80  }
0x59: {  	[sflag:s22] =	ssyncset.done $0x0  }
0x5a: {  	[sflag:s22] =	ssyncadd.s32 $0xFFFFFF80  }
0x5b: {  	[spmem:s3] =	stream.indirect.scatter.add.f32 [tilespmem:s18], [sflag:$0x5], $0x80, s19, s17, $0xb8;
	[tilespmem:$0x1ED20] =	vst v63  }
0x5c: {  	_ =	swait.ge [sflag:s15], $0x4000  }
0x5d: {  	[sflag:s15] =	ssyncset.done $0x0  }
0x5e: {  	[sflag:s15] =	ssyncadd.s32 $0xFFFFC000  }
0x5f: {  	[tilespmem:s18], [sflag:$0x1] =	stream.indirect.gather [hbm4b:s1+s17], $0x80, s0, s17, $0xb8;
	[tilespmem:$0x1ED20] =	vst v63  }
0x60: {  	s29 =	sadd.s32 s2, s12;
	s2 =	smov.u32 s6  }
0x61: {  	[tilespmem:s19], [sflag:$0x3] =	stream.linear.gather [hbm4b:s29+s4], $0x80, $0x38;
	[tilespmem:$0x1ED20] =	vst v63  }
0x62: {  	_ =	swait.ge [sflag:s23], $0x4000  }
0x63: {  	[sflag:s23] =	ssyncset.done $0x0  }
0x64: {  	[sflag:s23] =	ssyncadd.s32 $0xFFFFC000  }
0x65: {  	_ =	swait.ge [sflag:s24], $0x80  }
.Ltmp2:
0x66: {  	[sflag:s24] =	ssyncset.done $0x0;
	(pc) =	sbr.rel @p0 .LBB2_6-.Ltmp2, $4  }
0x67: {  	[sflag:s24] =	ssyncadd.s32 $0xFFFFFF80  }
0x68: {  	[spmem:s3] =	stream.indirect.scatter.add.f32 [tilespmem:s20], [sflag:$0x5], $0x80, s21, s17, $0xb8;
	[tilespmem:$0x1ED20] =	vst v63  }
0x69: {  	_ =	swait.ge [sflag:s15], $0x4000  }
0x6a: {  	s0 =	sadd.s32 $0x100, s0;
	[sflag:s15] =	ssyncset.done $0x0  }
0x6b: {  	s6 =	sadd.s32 $0xFFFFFF80, s0;
	[sflag:s15] =	ssyncadd.s32 $0xFFFFC000  }
0x6c: {  	[tilespmem:s20], [sflag:$0x2] =	stream.indirect.gather [hbm4b:s1+s17], $0x80, s6, s17, $0xb8;
	[tilespmem:$0x1ED20] =	vst v63  }
0x6d: {  	s29 =	sadd.s32 s2, s13  }
0x6e: {  	[tilespmem:s21], [sflag:$0x4] =	stream.linear.gather [hbm4b:s29+s4], $0x80, $0x38;
	[tilespmem:$0x1ED20] =	vst v63  }
0x6f: {  	_ =	swait.ge [sflag:s16], $0x4000  }
0x70: {  	[sflag:s16] =	ssyncset.done $0x0  }
0x71: {  	[sflag:s16] =	ssyncadd.s32 $0xFFFFC000  }
0x72: {  	_ =	swait.ge [sflag:s22], $0x80  }
0x73: {  	[sflag:s22] =	ssyncset.done $0x0  }
0x74: {  	[sflag:s22] =	ssyncadd.s32 $0xFFFFFF80  }
0x75: {  	[spmem:s3] =	stream.indirect.scatter.add.f32 [tilespmem:s18], [sflag:$0x5], $0x80, s19, s17, $0xb8;
	[tilespmem:$0x1ED20] =	vst v63  }
0x76: {  	_ =	swait.ge [sflag:s15], $0x4000  }
0x77: {  	[sflag:s15] =	ssyncset.done $0x0  }
0x78: {  	[sflag:s15] =	ssyncadd.s32 $0xFFFFC000  }
0x79: {  	[tilespmem:s18], [sflag:$0x1] =	stream.indirect.gather [hbm4b:s1+s17], $0x80, s0, s17, $0xb8;
	[tilespmem:$0x1ED20] =	vst v63  }
0x7a: {  	s2 =	sadd.s32 s2, s12  }
0x7b: {  	[tilespmem:s19], [sflag:$0x3] =	stream.linear.gather [hbm4b:s2+s4], $0x80, $0x38;
	[tilespmem:$0x1ED20] =	vst v63  }
0x7c: {  	_ =	swait.ge [sflag:s23], $0x4000  }
0x7d: {  	[sflag:s23] =	ssyncset.done $0x0  }
0x7e: {  	[sflag:s23] =	ssyncadd.s32 $0xFFFFC000  }
0x7f: {  	_ =	swait.ge [sflag:s24], $0x80  }
0x80: {  	[sflag:s24] =	ssyncset.done $0x0  }
0x81: {  	[sflag:s24] =	ssyncadd.s32 $0xFFFFFF80  }
0x82: {  	[spmem:s3] =	stream.indirect.scatter.add.f32 [tilespmem:s20], [sflag:$0x5], $0x80, s21, s17, $0xb8;
	[tilespmem:$0x1ED20] =	vst v63  }
0x83: {  	_ =	swait.ge [sflag:s15], $0x4000  }
0x84: {  	[sflag:s15] =	ssyncset.done $0x0  }
0x85: {  	s6 =	simm.s32 $0x2680;
	[sflag:s15] =	ssyncadd.s32 $0xFFFFC000  }
0x86: {  	[tilespmem:s20], [sflag:$0x2] =	stream.indirect.gather [hbm4b:s1+s17], $0x80, s6, s17, $0xb8;
	[tilespmem:$0x1ED20] =	vst v63  }
0x87: {  	_ = 	snop  }
0x88: {  	[tilespmem:s21], [sflag:$0x4] =	stream.linear.gather [hbm4b:s10+s4], $0x80, $0x38;
	[tilespmem:$0x1ED20] =	vst v63  }
0x89: {  	_ =	swait.ge [sflag:s16], $0x4000  }
0x8a: {  	[sflag:s16] =	ssyncset.done $0x0  }
0x8b: {  	[sflag:s16] =	ssyncadd.s32 $0xFFFFC000  }
0x8c: {  	_ =	swait.ge [sflag:s22], $0x80  }
0x8d: {  	[sflag:s22] =	ssyncset.done $0x0  }
0x8e: {  	[sflag:s22] =	ssyncadd.s32 $0xFFFFFF80  }
0x8f: {  	[spmem:s3] =	stream.indirect.scatter.add.f32 [tilespmem:s18], [sflag:$0x5], $0x80, s19, s17, $0xb8;
	[tilespmem:$0x1ED20] =	vst v63  }
0x90: {  	_ =	swait.ge [sflag:s15], $0x4000  }
0x91: {  	[sflag:s15] =	ssyncset.done $0x0  }
0x92: {  	[sflag:s15] =	ssyncadd.s32 $0xFFFFC000  }
0x93: {  	_ =	swait.ge [sflag:s23], $0x4000  }
0x94: {  	[sflag:s23] =	ssyncset.done $0x0  }
0x95: {  	[sflag:s23] =	ssyncadd.s32 $0xFFFFC000  }
0x96: {  	_ =	swait.ge [sflag:s24], $0x80  }
0x97: {  	[sflag:s24] =	ssyncset.done $0x0  }
0x98: {  	[sflag:s24] =	ssyncadd.s32 $0xFFFFFF80  }
0x99: {  	[spmem:s3] =	stream.indirect.scatter.add.f32 [tilespmem:s20], [sflag:$0x5], $0x80, s21, s17, $0xb8;
	[tilespmem:$0x1ED20] =	vst v63  }
0x9a: {  	_ =	swait.ge [sflag:s15], $0x4000  }
0x9b: {  	[sflag:s15] =	ssyncset.done $0x0  }
0x9c: {  	s26 =	simm.s32 $0x2700;
	[sflag:s15] =	ssyncadd.s32 $0xFFFFC000  }
0x9d: {  	[tilespmem:s18], [sflag:$0x1] =	stream.indirect.gather [hbm4b:s1+s28], $0x80, s26, s28, $0xb8;
	[tilespmem:$0x1ED20] =	vst v63  }
0x9e: {  	_ = 	snop  }
0x9f: {  	[tilespmem:s30], [sflag:$0x5] =	stream.linear.gather [hbm4b:s7+s4], $0x10, $0x38;
	[tilespmem:$0x1ED20] =	vst v63  }
0xa0: {  	_ =	swait.ge [sflag:s15], $0x10  }
0xa1: {  	[sflag:s15] =	ssyncset.done $0x0  }
0xa2: {  	[sflag:s15] =	ssyncadd.s32 $0xFFFFFFF0  }
0xa3: {  	_ =	swait.ge [sflag:s16], $0x800  }
0xa4: {  	[sflag:s16] =	ssyncset.done $0x0  }
0xa5: {  	[sflag:s16] =	ssyncadd.s32 $0xFFFFF800  }
0xa6: {  	[spmem:s3] =	stream.indirect.scatter.add.f32 [tilespmem:s18], [sflag:$0x5], $0x80, s30, s28, $0xb8;
	[tilespmem:$0x1ED20] =	vst v63  }
0xa7: {  	_ =	swait.ge [sflag:s15], $0x800  }
0xa8: {  	s31 =	sadd.s32 $0x1, s31;
	s29 =	stileid.u32;
	[sflag:s15] =	ssyncset.done $0x0  }
0xa9: {  	p0 =	sne.s32 s31, s9;
	s0 =	sshll.u32 s29, $0x6;
	[sflag:s15] =	ssyncadd.s32 $0xFFFFF800  }
.Ltmp3:
0xaa: {  	s0 =	sor.u32 $0x1C05, s0;
	[bflag:$0x0] =	sbarrier.arrive $0xFFFF;
	(pc) =	sbr.rel @p0 .LBB2_1-.Ltmp3, $4  }
0xab: {  	[hbm:s8], [sflag:s0] =	dma.local [spmem:s25], $0x2710  }
0xac: {  	_ =	swait.ge [sflag:s15], $0x2710  }
0xad: {  	[sflag:s15] =	ssyncset.done $0x0  }
0xae: {  	[sflag:s15] =	ssyncadd.s32 $0xFFFFD8F0  }
0xaf: {  	_ =	sfence.sel $0x180000  }
0xb0: {  	[bflag:$0x0] =	sbarrier.arrive $0xFFFF  }
0xb1: {  	_ =	strace $0x9000004A  }
0xb2: {  	s0 =	stileid.u32;
	[bflag:$0x2] =	sbarrier.arrive $0xFFFF  }
0xb3: {  	p0 =	sne.s32 s0, $0x0;
	s0 =	rddreg [dreg:$0x3]  }
0xb4: {  	s0 =	sadd.s32 @!p0 $0x100000, s0  }
0xb5: {  	[sflag:s0] =	ssyncadd.tile.s32 @!p0 $0x1;
	_ =	shalt  }
.Lfunc_end2:
_tile_overlayer_lowered:
.L_overlay_start_2:
0xb6: {  	(tag) =	ssettag $0x2  }
0xb7: {  	s0 =	rddreg [dreg:$0x0];
	s2 =	stileid.u32  }
0xb8: {  	s1 =	rddreg [dreg:$0x1];
	p0 =	sne.s32 s2, $0x0  }
0xb9: {  	s3 =	rddreg [dreg:$0x2];
	[bflag:$0x3] =	sbarrier.arrive $0xFFFF;
	s2 =	simm.s32 @!p0 $0x1C05  }
0xba: {  	[timem:s3], [sflag:s2] =	dma.local @!p0 [hbm:s0], s1  }
0xbb: {  	s0 =	simm.s32 @!p0 $0x5  }
0xbc: {  	_ =	swait.ge @!p0 [sflag:s0], s1  }
0xbd: {  	s1 =	ssub.s32 @!p0 $0x0, s1;
	[sflag:s0] =	ssyncset.done @!p0 $0x0  }
0xbe: {  	[sflag:s0] =	ssyncadd.s32 @!p0 s1  }
0xbf: {  	[bflag:$0x3] =	sbarrier.arrive $0xFFFF  }
0xc0: {  	_ =	shalt  }

</sc_bundles>
